<compile_context>
chip_gen: v7x
topology: tpu7x:2x2x1
jax: 0.10.2.dev20260603
libtpu: 0.0.44.dev20260713+nightly
codegen_flags: <defaults>
</compile_context>

<pallas_src>
import functools

import jax
import jax.numpy as jnp
from jax import lax
from jax.experimental import pallas as pl
from jax.experimental.pallas import tpu as pltpu
from jax.experimental.pallas import tpu_sc as plsc


_CH = 128
_NTILES = 32
_NCA = 112
_NCB = 46


def _npad(n):
    return ((n + 1 + 127) // 128) * 128



def _stage_mid_body(agg_ref, deg_ref, b_ref, w_ref, o_ref):
    n = o_ref.shape[0]
    agg = agg_ref[0, :n] + agg_ref[1, :n]
    deg = deg_ref[0, :n, :1] + deg_ref[1, :n, :1]
    inv = 1.0 / jnp.maximum(deg, 1.0)
    x = jnp.dot(agg * inv, w_ref[...], preferred_element_type=jnp.float32)
    o_ref[...] = jnp.maximum(x + b_ref[...], 0.0)


def _tc_stage_mid(aggp, degp, n, b, w):
    return pl.pallas_call(
        _stage_mid_body,
        out_shape=jax.ShapeDtypeStruct((n, w.shape[1]), jnp.float32),
    )(aggp, degp, b.reshape(1, w.shape[1]), w)


def _stage_out_body(n, agg_ref, deg_ref, w_ref, b_ref, nn_row_ref, nn_col_ref,
                    wout_ref, bout_ref, o_ref):
    agg = agg_ref[0, :n] + agg_ref[1, :n]
    deg = deg_ref[0, :n, :1] + deg_ref[1, :n, :1]
    inv = 1.0 / jnp.maximum(deg, 1.0)
    xw = jnp.dot(agg * inv, w_ref[...], preferred_element_type=jnp.float32)
    x = jnp.maximum(xw + b_ref[...], 0.0)

    g = nn_row_ref.shape[1]
    nn = nn_row_ref[...]
    r = lax.broadcasted_iota(jnp.int32, (g, g), 0)
    c = lax.broadcasted_iota(jnp.int32, (g, g), 1)
    lt = (r <= c).astype(jnp.float32)
    incl = jnp.dot(nn, lt, preferred_element_type=jnp.float32)
    start = incl - nn
    gidx = lax.broadcasted_iota(jnp.int32, (1, g), 1)
    end = jnp.where(gidx == g - 1, jnp.float32(1 << 30), incl)
    p = lax.broadcasted_iota(jnp.int32, (n, g), 0).astype(jnp.float32)
    onehot = ((p >= start) & (p < end)).astype(jnp.float32)
    pooled_sum = lax.dot_general(
        onehot, x, (((0,), (0,)), ((), ())),
        preferred_element_type=jnp.float32)
    pooled = pooled_sum / jnp.maximum(nn_col_ref[...], 1.0)
    o_ref[...] = jnp.dot(pooled, wout_ref[...],
                         preferred_element_type=jnp.float32) + bout_ref[...]


def _tc_stage_out(aggp, degp, n, w, b, n_node, w_out, b_out):
    g = n_node.shape[0]
    nn_f = n_node.astype(jnp.float32)
    return pl.pallas_call(
        functools.partial(_stage_out_body, n),
        out_shape=jax.ShapeDtypeStruct((g, w_out.shape[1]), jnp.float32),
    )(aggp, degp, w, b.reshape(1, w.shape[1]), nn_f.reshape(1, g),
      nn_f.reshape(g, 1), w_out, b_out.reshape(1, w_out.shape[1]))



@functools.lru_cache(maxsize=None)
def _make_sc_agg(n, d, nca, ncb):
    mesh = plsc.VectorSubcoreMesh(core_axis_name="c", subcore_axis_name="s")
    ncores, nsub = mesh.num_cores, mesh.num_subcores
    npad = _npad(n)
    rpt = npad // nsub
    assert rpt % 8 == 0
    assert nca % 2 == 0 and ncb % 2 == 0 and nca >= 4 and ncb >= 4

    def body(y_hbm, sidx_hbm, ridx_hbm, z_hbm, agg_hbm,
             acc, sidx0, ridx0, gbuf0, sidx1, ridx1, gbuf1, sem0, sem1):
        c = lax.axis_index("c")
        s = lax.axis_index("s")
        base = s * rpt
        cb = jnp.where(c == 0, s * nca, nsub * nca + s * ncb)
        n_loc = jnp.where(c == 0, nca, ncb)
        pairs = n_loc // 2

        pltpu.sync_copy(z_hbm, acc.at[pl.ds(base, rpt)])
        plsc.subcore_barrier()

        pltpu.sync_copy(sidx_hbm.at[cb], sidx0)
        pltpu.sync_copy(ridx_hbm.at[cb], ridx0)
        pltpu.async_copy(y_hbm.at[sidx0], gbuf0, sem0)

        def pair(jj, carry):
            j1 = cb + 2 * jj + 1
            pltpu.sync_copy(sidx_hbm.at[j1], sidx1)
            pltpu.sync_copy(ridx_hbm.at[j1], ridx1)
            pltpu.async_copy(y_hbm.at[sidx1], gbuf1, sem1)
            pltpu.make_async_copy(y_hbm.at[pl.ds(0, _CH)], gbuf0, sem0).wait()
            pltpu.sync_copy(gbuf0, acc.at[ridx0], add=True)
            jn = cb + jnp.minimum(2 * jj + 2, n_loc - 2)
            pltpu.sync_copy(sidx_hbm.at[jn], sidx0)
            pltpu.sync_copy(ridx_hbm.at[jn], ridx0)
            pltpu.async_copy(y_hbm.at[sidx0], gbuf0, sem0)
            pltpu.make_async_copy(y_hbm.at[pl.ds(0, _CH)], gbuf1, sem1).wait()
            pltpu.sync_copy(gbuf1, acc.at[ridx1], add=True)
            return carry

        lax.fori_loop(0, pairs, pair, 0)
        pltpu.make_async_copy(y_hbm.at[pl.ds(0, _CH)], gbuf0, sem0).wait()

        plsc.subcore_barrier()
        pltpu.sync_copy(acc.at[pl.ds(base, rpt)],
                        agg_hbm.at[c, pl.ds(base, rpt)])

    return pl.kernel(
        body,
        out_type=jax.ShapeDtypeStruct((ncores, npad, d), jnp.float32),
        mesh=mesh,
        scratch_types=(
            pltpu.VMEM_SHARED((npad, d), jnp.float32),
            pltpu.VMEM((_CH,), jnp.int32),
            pltpu.VMEM((_CH,), jnp.int32),
            pltpu.VMEM((_CH, d), jnp.float32),
            pltpu.VMEM((_CH,), jnp.int32),
            pltpu.VMEM((_CH,), jnp.int32),
            pltpu.VMEM((_CH, d), jnp.float32),
            pltpu.SemaphoreType.DMA,
            pltpu.SemaphoreType.DMA,
        )), npad, rpt


def _sc_aggregate(y, sidx, ridx):
    n, d = y.shape
    k, npad, rpt = _make_sc_agg(n, d, _NCA, _NCB)
    z = jnp.zeros((rpt, d), jnp.float32)
    return k(y, sidx, ridx, z)


@functools.lru_cache(maxsize=None)
def _make_sc_deg(n, d, n_chunks):
    mesh = plsc.VectorSubcoreMesh(core_axis_name="c", subcore_axis_name="s")
    ncores, nsub = mesh.num_cores, mesh.num_subcores
    npad = _npad(n)
    rpt = npad // nsub
    assert rpt % 8 == 0

    assert n_chunks % (2 * nsub) == 0
    u = n_chunks // (2 * nsub)

    def body(ridx_hbm, z_hbm, ones_hbm, deg_hbm, acc, ridx_v, ones_buf):
        c = lax.axis_index("c")
        s = lax.axis_index("s")
        w = c * nsub + s
        base = s * rpt

        pltpu.sync_copy(z_hbm, acc.at[pl.ds(base, rpt)])
        pltpu.sync_copy(ones_hbm, ones_buf)
        plsc.subcore_barrier()

        def chunk(j, carry):
            pltpu.sync_copy(ridx_hbm.at[w * u + j], ridx_v)
            pltpu.sync_copy(ones_buf, acc.at[ridx_v], add=True)
            return carry

        lax.fori_loop(0, u, chunk, 0)
        plsc.subcore_barrier()
        pltpu.sync_copy(acc.at[pl.ds(base, rpt)],
                        deg_hbm.at[c, pl.ds(base, rpt)])

    return pl.kernel(
        body,
        out_type=jax.ShapeDtypeStruct((ncores, npad, d), jnp.float32),
        mesh=mesh,
        scratch_types=(
            pltpu.VMEM_SHARED((npad, d), jnp.float32),
            pltpu.VMEM((_CH,), jnp.int32),
            pltpu.VMEM((_CH, d), jnp.float32),
        )), npad, rpt


def _sc_degree(ridx, n, d):
    n_chunks = ridx.shape[0]
    k, npad, rpt = _make_sc_deg(n, d, n_chunks)
    z = jnp.zeros((rpt, d), jnp.float32)
    ones_blk = jnp.ones((_CH, d), jnp.float32)
    return k(ridx, z, ones_blk)


def _edge_blocks(senders, receivers, n):
    e = senders.shape[0]
    n_chunks = 16 * (_NCA + _NCB)
    e_pad = n_chunks * _CH
    assert e_pad >= e
    pad = e_pad - e
    sidx = jnp.concatenate(
        [senders, jnp.zeros((pad,), jnp.int32)]).reshape(n_chunks, _CH)
    ridx = jnp.concatenate(
        [receivers, jnp.full((pad,), n, jnp.int32)]).reshape(n_chunks, _CH)
    return sidx, ridx



def kernel(nodes, senders, receivers, n_node, W1, b1, W2, b2, W_out, b_out):
    n, d = nodes.shape
    sidx, ridx = _edge_blocks(senders, receivers, n)

    deg_full = _sc_degree(ridx, n, d)
    degp = deg_full[:, :, :16]
    nodes_b, _ = lax.optimization_barrier((nodes, deg_full))
    agg1p = _sc_aggregate(nodes_b, sidx, ridx)
    x1 = _tc_stage_mid(agg1p, degp, n, b1, W1)
    agg2p = _sc_aggregate(x1, sidx, ridx)
    return _tc_stage_out(agg2p, degp, n, W2, b2, n_node, W_out, b_out)

# --- scband reference (transcript-rebuilt; emitter-appended) ---
"""Pipeline reference for scband-molecular-gcn-4595615007149 (READ-ONLY COPY).

The authoritative reference and input builder live on the scoring server;
editing this copy changes nothing except your own understanding.
"""

import jax, jax.numpy as jnp
import numpy as np

N = 10000
E = 320000
D = 128
G = 100
OUT = 1


def setup_inputs(seed: int = 0) -> dict:
    key = jax.random.key(seed)
    ks = jax.random.split(key, 10)
    nodes = jax.random.normal(ks[0], (N, D), dtype=jnp.float32)
    senders = jax.random.randint(ks[1], (E,), 0, N, dtype=jnp.int32)
    receivers = jax.random.randint(ks[2], (E,), 0, N, dtype=jnp.int32)
    n_node = jax.random.randint(ks[3], (G,), 0, 200, dtype=jnp.int32)
    # learned parameters (two GraphConvolution layers + output linear), lecun-ish init
    W1 = jax.random.normal(ks[4], (D, D), dtype=jnp.float32) / np.sqrt(D)
    b1 = jnp.zeros((D,), dtype=jnp.float32)
    W2 = jax.random.normal(ks[5], (D, D), dtype=jnp.float32) / np.sqrt(D)
    b2 = jnp.zeros((D,), dtype=jnp.float32)
    W_out = jax.random.normal(ks[6], (D, OUT), dtype=jnp.float32) / np.sqrt(D)
    b_out = jnp.zeros((OUT,), dtype=jnp.float32)
    return {
        "nodes": nodes,
        "senders": senders,
        "receivers": receivers,
        "n_node": n_node,
        "W1": W1,
        "b1": b1,
        "W2": W2,
        "b2": b2,
        "W_out": W_out,
        "b_out": b_out,
    }


def reference(nodes, senders, receivers, n_node, W1, b1, W2, b2, W_out, b_out):
    x = nodes
    num_nodes = x.shape[0]
    for (W, b) in ((W1, b1), (W2, b2)):
        # message passing: gather sender features, scatter-add to receivers
        messages = x[senders]
        aggregated = jax.ops.segment_sum(messages, receivers, num_segments=num_nodes)
        ones = jnp.ones((senders.shape[0],), dtype=x.dtype)
        degree = jax.ops.segment_sum(ones, receivers, num_segments=num_nodes)
        degree = jnp.maximum(degree, 1.0)
        aggregated = aggregated / degree[:, None]
        x = aggregated @ W + b
        x = jax.nn.relu(x)
    n_graphs = n_node.shape[0]
    graph_indices = jnp.repeat(jnp.arange(n_graphs), n_node, total_repeat_length=num_nodes)
    pooled_sum = jax.ops.segment_sum(x, graph_indices, num_segments=n_graphs)
    n_nodes_per_graph = jnp.maximum(n_node.astype(jnp.float32), 1.0)[:, None]
    pooled = pooled_sum / n_nodes_per_graph
    return pooled @ W_out + b_out

if __name__ == "__main__":
    import jax
    _d = setup_inputs()
    print(jax.jit(kernel)(*tuple(_d.values())))

</pallas_src>

<mosaic_0001>
#map = affine_map<(d0, d1) -> (0, 0)>
#map1 = affine_map<(d0, d1) -> (0, 0, 0)>
module attributes {stable_mosaic.version = 14 : i64} {
  func.func @body(%arg0: i32, %arg1: i32, %arg2: memref<10000x128xf32, #tpu.memory_space<hbm>>, %arg3: memref<2528x128xi32, #tpu.memory_space<hbm>>, %arg4: memref<2528x128xi32, #tpu.memory_space<hbm>>, %arg5: memref<632x128xf32, #tpu.memory_space<hbm>>, %arg6: memref<2x10112x128xf32, #tpu.memory_space<hbm>>, %arg7: memref<10112x128xf32, #tpu.memory_space<vmem_shared>>, %arg8: memref<128xi32, #tpu.memory_space<vmem>>, %arg9: memref<128xi32, #tpu.memory_space<vmem>>, %arg10: memref<128x128xf32, #tpu.memory_space<vmem>>, %arg11: memref<128xi32, #tpu.memory_space<vmem>>, %arg12: memref<128xi32, #tpu.memory_space<vmem>>, %arg13: memref<128x128xf32, #tpu.memory_space<vmem>>, %arg14: memref<!tpu.dma_semaphore, #tpu.memory_space<semaphore_mem>>, %arg15: memref<!tpu.dma_semaphore, #tpu.memory_space<semaphore_mem>>) attributes {dimension_semantics = [#tpu.dimension_semantics<core_parallel>, #tpu.dimension_semantics<subcore_parallel>], iteration_bounds = array<i64: 2, 16>, scalar_prefetch = 0 : i64, scratch_operands = 9 : i64, tpu.core_type = #tpu.core_type<sc_vector_subcore>, window_params = [{transform_indices = #map}, {transform_indices = #map}, {transform_indices = #map}, {transform_indices = #map}, {transform_indices = #map1}]} {
    %mul3A = arith.constant 632 : i32
    %mul3A_0 = arith.muli %arg1, %mul3A : i32
    %eq3A = arith.constant 0 : i32
    %eq3A_1 = arith.cmpi eq, %arg0, %eq3A : i32
    %mul3A_2 = arith.constant 112 : i32
    %mul3A_3 = arith.muli %arg1, %mul3A_2 : i32
    %mul3A_4 = arith.constant 46 : i32
    %mul3A_5 = arith.muli %arg1, %mul3A_4 : i32
    %add3A = arith.constant 1792 : i32
    %add3A_6 = arith.addi %add3A, %mul3A_5 : i32
    %select_n3A = arith.select %eq3A_1, %mul3A_3, %add3A_6 : i32
    %eq3A_7 = arith.constant 0 : i32
    %eq3A_8 = arith.cmpi eq, %arg0, %eq3A_7 : i32
    %jit3A = arith.constant 112 : i32
    %jit3A_9 = arith.constant 46 : i32
    %select_n3A_10 = arith.select %eq3A_8, %jit3A, %jit3A_9 : i32
    %jit3A_11 = arith.constant 2 : i32
    %div3A = arith.divsi %select_n3A_10, %jit3A_11 : i32
    %sign3A = arith.constant 0 : i32
    %sign3A_12 = arith.cmpi sgt, %select_n3A_10, %sign3A : i32
    %sign3A_13 = arith.extui %sign3A_12 : i1 to i32
    %sign3A_14 = arith.constant 0 : i32
    %sign3A_15 = arith.cmpi slt, %select_n3A_10, %sign3A_14 : i32
    %sign3A_16 = arith.extui %sign3A_15 : i1 to i32
    %sign3A_17 = arith.subi %sign3A_13, %sign3A_16 : i32
    %sign3A_18 = arith.constant 0 : i32
    %sign3A_19 = arith.cmpi sgt, %jit3A_11, %sign3A_18 : i32
    %sign3A_20 = arith.extui %sign3A_19 : i1 to i32
    %sign3A_21 = arith.constant 0 : i32
    %sign3A_22 = arith.cmpi slt, %jit3A_11, %sign3A_21 : i32
    %sign3A_23 = arith.extui %sign3A_22 : i1 to i32
    %sign3A_24 = arith.subi %sign3A_20, %sign3A_23 : i32
    %ne3A = arith.cmpi ne, %sign3A_17, %sign3A_24 : i32
    %rem3A = arith.remsi %select_n3A_10, %jit3A_11 : i32
    %ne3A_25 = arith.constant 0 : i32
    %ne3A_26 = arith.cmpi ne, %rem3A, %ne3A_25 : i32
    %and3A = arith.andi %ne3A, %ne3A_26 : i1
    %sub3A = arith.constant 1 : i32
    %sub3A_27 = arith.subi %div3A, %sub3A : i32
    %select_n3A_28 = arith.select %and3A, %sub3A_27, %div3A : i32
    "tpu.region"() ({
      %run_scoped3A = tpu.sem_alloc : memref<!tpu.dma_semaphore, #tpu.memory_space<semaphore_mem>>
      %dma_start3A_46 = arith.constant 0 : i32
      %dma_start3A_47 = tpu.memref_slice %arg7[%mul3A_0, %dma_start3A_46] : memref<10112x128xf32, #tpu.memory_space<vmem_shared>> -> memref<632x128xf32, #tpu.memory_space<vmem_shared>>
      tpu.enqueue_dma source(%arg5 : memref<632x128xf32, #tpu.memory_space<hbm>>) target(%dma_start3A_47 : memref<632x128xf32, #tpu.memory_space<vmem_shared>>) target_semaphore(%run_scoped3A : memref<!tpu.dma_semaphore, #tpu.memory_space<semaphore_mem>>)
      %dma_wait3A_48 = arith.constant 0 : i32
      %dma_wait3A_49 = tpu.memref_slice %arg7[%mul3A_0, %dma_wait3A_48] : memref<10112x128xf32, #tpu.memory_space<vmem_shared>> -> memref<632x128xf32, #tpu.memory_space<vmem_shared>>
      tpu.wait_dma2 semaphore(%run_scoped3A : memref<!tpu.dma_semaphore, #tpu.memory_space<semaphore_mem>>) src(%arg5 : memref<632x128xf32, #tpu.memory_space<hbm>>) dst(%dma_wait3A_49 : memref<632x128xf32, #tpu.memory_space<vmem_shared>>)
      tpu.yield
    }) : () -> ()
    %barrier3A = arith.constant 0 : index
    tpu.barrier barrier_id(%barrier3A)
    "tpu.region"() ({
      %run_scoped3A = tpu.sem_alloc : memref<!tpu.dma_semaphore, #tpu.memory_space<semaphore_mem>>
      %dma_start3A_46 = arith.constant 0 : i32
      %dma_start3A_47 = tpu.memref_slice %arg3[%select_n3A, %dma_start3A_46] : memref<2528x128xi32, #tpu.memory_space<hbm>> -> memref<1x128xi32, #tpu.memory_space<hbm>>
      %dma_start3A_48 = tpu.memref_squeeze %dma_start3A_47 : memref<1x128xi32, #tpu.memory_space<hbm>> -> memref<128xi32, #tpu.memory_space<hbm>>
      %dma_start3A_49 = arith.constant 0 : i32
      %dma_start3A_50 = tpu.memref_slice %arg3[%select_n3A, %dma_start3A_49] : memref<2528x128xi32, #tpu.memory_space<hbm>> -> memref<1x128xi32, #tpu.memory_space<hbm>>
      %dma_start3A_51 = tpu.memref_squeeze %dma_start3A_50 : memref<1x128xi32, #tpu.memory_space<hbm>> -> memref<128xi32, #tpu.memory_space<hbm>>
      tpu.enqueue_dma source(%dma_start3A_51 : memref<128xi32, #tpu.memory_space<hbm>>) target(%arg8 : memref<128xi32, #tpu.memory_space<vmem>>) target_semaphore(%run_scoped3A : memref<!tpu.dma_semaphore, #tpu.memory_space<semaphore_mem>>)
      %dma_wait3A_52 = arith.constant 0 : i32
      %dma_wait3A_53 = tpu.memref_slice %arg3[%select_n3A, %dma_wait3A_52] : memref<2528x128xi32, #tpu.memory_space<hbm>> -> memref<1x128xi32, #tpu.memory_space<hbm>>
      %dma_wait3A_54 = tpu.memref_squeeze %dma_wait3A_53 : memref<1x128xi32, #tpu.memory_space<hbm>> -> memref<128xi32, #tpu.memory_space<hbm>>
      %dma_wait3A_55 = arith.constant 0 : i32
      %dma_wait3A_56 = tpu.memref_slice %arg3[%select_n3A, %dma_wait3A_55] : memref<2528x128xi32, #tpu.memory_space<hbm>> -> memref<1x128xi32, #tpu.memory_space<hbm>>
      %dma_wait3A_57 = tpu.memref_squeeze %dma_wait3A_56 : memref<1x128xi32, #tpu.memory_space<hbm>> -> memref<128xi32, #tpu.memory_space<hbm>>
      tpu.wait_dma2 semaphore(%run_scoped3A : memref<!tpu.dma_semaphore, #tpu.memory_space<semaphore_mem>>) src(%dma_wait3A_57 : memref<128xi32, #tpu.memory_space<hbm>>) dst(%arg8 : memref<128xi32, #tpu.memory_space<vmem>>)
      tpu.yield
    }) : () -> ()
    "tpu.region"() ({
      %run_scoped3A = tpu.sem_alloc : memref<!tpu.dma_semaphore, #tpu.memory_space<semaphore_mem>>
      %dma_start3A_46 = arith.constant 0 : i32
      %dma_start3A_47 = tpu.memref_slice %arg4[%select_n3A, %dma_start3A_46] : memref<2528x128xi32, #tpu.memory_space<hbm>> -> memref<1x128xi32, #tpu.memory_space<hbm>>
      %dma_start3A_48 = tpu.memref_squeeze %dma_start3A_47 : memref<1x128xi32, #tpu.memory_space<hbm>> -> memref<128xi32, #tpu.memory_space<hbm>>
      %dma_start3A_49 = arith.constant 0 : i32
      %dma_start3A_50 = tpu.memref_slice %arg4[%select_n3A, %dma_start3A_49] : memref<2528x128xi32, #tpu.memory_space<hbm>> -> memref<1x128xi32, #tpu.memory_space<hbm>>
      %dma_start3A_51 = tpu.memref_squeeze %dma_start3A_50 : memref<1x128xi32, #tpu.memory_space<hbm>> -> memref<128xi32, #tpu.memory_space<hbm>>
      tpu.enqueue_dma source(%dma_start3A_51 : memref<128xi32, #tpu.memory_space<hbm>>) target(%arg9 : memref<128xi32, #tpu.memory_space<vmem>>) target_semaphore(%run_scoped3A : memref<!tpu.dma_semaphore, #tpu.memory_space<semaphore_mem>>)
      %dma_wait3A_52 = arith.constant 0 : i32
      %dma_wait3A_53 = tpu.memref_slice %arg4[%select_n3A, %dma_wait3A_52] : memref<2528x128xi32, #tpu.memory_space<hbm>> -> memref<1x128xi32, #tpu.memory_space<hbm>>
      %dma_wait3A_54 = tpu.memref_squeeze %dma_wait3A_53 : memref<1x128xi32, #tpu.memory_space<hbm>> -> memref<128xi32, #tpu.memory_space<hbm>>
      %dma_wait3A_55 = arith.constant 0 : i32
      %dma_wait3A_56 = tpu.memref_slice %arg4[%select_n3A, %dma_wait3A_55] : memref<2528x128xi32, #tpu.memory_space<hbm>> -> memref<1x128xi32, #tpu.memory_space<hbm>>
      %dma_wait3A_57 = tpu.memref_squeeze %dma_wait3A_56 : memref<1x128xi32, #tpu.memory_space<hbm>> -> memref<128xi32, #tpu.memory_space<hbm>>
      tpu.wait_dma2 semaphore(%run_scoped3A : memref<!tpu.dma_semaphore, #tpu.memory_space<semaphore_mem>>) src(%dma_wait3A_57 : memref<128xi32, #tpu.memory_space<hbm>>) dst(%arg9 : memref<128xi32, #tpu.memory_space<vmem>>)
      tpu.yield
    }) : () -> ()
    %dma_start3A = arith.constant 0 : i32
    %dma_start3A_29 = arith.constant 0 : i32
    %dma_start3A_30 = tpu.memref_slice %arg2[%dma_start3A, %dma_start3A_29] : memref<10000x128xf32, #tpu.memory_space<hbm>> -> memref<10000x128xf32, #tpu.memory_space<hbm>>
    tpu.enqueue_indirect_dma source(%dma_start3A_30 : memref<10000x128xf32, #tpu.memory_space<hbm>>) target(%arg10 : memref<128x128xf32, #tpu.memory_space<vmem>>) offsets(%arg8 : memref<128xi32, #tpu.memory_space<vmem>>) semaphore(%arg14 : memref<!tpu.dma_semaphore, #tpu.memory_space<semaphore_mem>>)
    %while3A = arith.constant 0 : i32
    %while3A_31 = arith.constant 0 : i32
    %while3A_32 = arith.subi %select_n3A_28, %while3A_31 : i32
    %while3A_33 = arith.addi %while3A_31, %while3A_32 : i32
    %while3A_34 = arith.constant 1 : i32
    %while3A_35 = arith.divsi %while3A_32, %while3A_34 : i32
    %while3A_36 = arith.muli %while3A_35, %while3A_34 : i32
    %while3A_37 = arith.addi %while3A_31, %while3A_36 : i32
    %while3A_38 = arith.constant 1 : i32
    scf.for %while3A_46 = %while3A_31 to %while3A_37 step %while3A_38  : i32 {
      %mul3A_47 = arith.constant 2 : i32
      %mul3A_48 = arith.muli %mul3A_47, %while3A_46 : i32
      %add3A_49 = arith.addi %select_n3A, %mul3A_48 : i32
      %add3A_50 = arith.constant 1 : i32
      %add3A_51 = arith.addi %add3A_49, %add3A_50 : i32
      "tpu.region"() ({
        %run_scoped3A = tpu.sem_alloc : memref<!tpu.dma_semaphore, #tpu.memory_space<semaphore_mem>>
        %dma_start3A_77 = arith.constant 0 : i32
        %dma_start3A_78 = tpu.memref_slice %arg3[%add3A_51, %dma_start3A_77] : memref<2528x128xi32, #tpu.memory_space<hbm>> -> memref<1x128xi32, #tpu.memory_space<hbm>>
        %dma_start3A_79 = tpu.memref_squeeze %dma_start3A_78 : memref<1x128xi32, #tpu.memory_space<hbm>> -> memref<128xi32, #tpu.memory_space<hbm>>
        %dma_start3A_80 = arith.constant 0 : i32
        %dma_start3A_81 = tpu.memref_slice %arg3[%add3A_51, %dma_start3A_80] : memref<2528x128xi32, #tpu.memory_space<hbm>> -> memref<1x128xi32, #tpu.memory_space<hbm>>
        %dma_start3A_82 = tpu.memref_squeeze %dma_start3A_81 : memref<1x128xi32, #tpu.memory_space<hbm>> -> memref<128xi32, #tpu.memory_space<hbm>>
        tpu.enqueue_dma source(%dma_start3A_82 : memref<128xi32, #tpu.memory_space<hbm>>) target(%arg11 : memref<128xi32, #tpu.memory_space<vmem>>) target_semaphore(%run_scoped3A : memref<!tpu.dma_semaphore, #tpu.memory_space<semaphore_mem>>)
        %dma_wait3A_83 = arith.constant 0 : i32
        %dma_wait3A_84 = tpu.memref_slice %arg3[%add3A_51, %dma_wait3A_83] : memref<2528x128xi32, #tpu.memory_space<hbm>> -> memref<1x128xi32, #tpu.memory_space<hbm>>
        %dma_wait3A_85 = tpu.memref_squeeze %dma_wait3A_84 : memref<1x128xi32, #tpu.memory_space<hbm>> -> memref<128xi32, #tpu.memory_space<hbm>>
        %dma_wait3A_86 = arith.constant 0 : i32
        %dma_wait3A_87 = tpu.memref_slice %arg3[%add3A_51, %dma_wait3A_86] : memref<2528x128xi32, #tpu.memory_space<hbm>> -> memref<1x128xi32, #tpu.memory_space<hbm>>
        %dma_wait3A_88 = tpu.memref_squeeze %dma_wait3A_87 : memref<1x128xi32, #tpu.memory_space<hbm>> -> memref<128xi32, #tpu.memory_space<hbm>>
        tpu.wait_dma2 semaphore(%run_scoped3A : memref<!tpu.dma_semaphore, #tpu.memory_space<semaphore_mem>>) src(%dma_wait3A_88 : memref<128xi32, #tpu.memory_space<hbm>>) dst(%arg11 : memref<128xi32, #tpu.memory_space<vmem>>)
        tpu.yield
      }) : () -> ()
      "tpu.region"() ({
        %run_scoped3A = tpu.sem_alloc : memref<!tpu.dma_semaphore, #tpu.memory_space<semaphore_mem>>
        %dma_start3A_77 = arith.constant 0 : i32
        %dma_start3A_78 = tpu.memref_slice %arg4[%add3A_51, %dma_start3A_77] : memref<2528x128xi32, #tpu.memory_space<hbm>> -> memref<1x128xi32, #tpu.memory_space<hbm>>
        %dma_start3A_79 = tpu.memref_squeeze %dma_start3A_78 : memref<1x128xi32, #tpu.memory_space<hbm>> -> memref<128xi32, #tpu.memory_space<hbm>>
        %dma_start3A_80 = arith.constant 0 : i32
        %dma_start3A_81 = tpu.memref_slice %arg4[%add3A_51, %dma_start3A_80] : memref<2528x128xi32, #tpu.memory_space<hbm>> -> memref<1x128xi32, #tpu.memory_space<hbm>>
        %dma_start3A_82 = tpu.memref_squeeze %dma_start3A_81 : memref<1x128xi32, #tpu.memory_space<hbm>> -> memref<128xi32, #tpu.memory_space<hbm>>
        tpu.enqueue_dma source(%dma_start3A_82 : memref<128xi32, #tpu.memory_space<hbm>>) target(%arg12 : memref<128xi32, #tpu.memory_space<vmem>>) target_semaphore(%run_scoped3A : memref<!tpu.dma_semaphore, #tpu.memory_space<semaphore_mem>>)
        %dma_wait3A_83 = arith.constant 0 : i32
        %dma_wait3A_84 = tpu.memref_slice %arg4[%add3A_51, %dma_wait3A_83] : memref<2528x128xi32, #tpu.memory_space<hbm>> -> memref<1x128xi32, #tpu.memory_space<hbm>>
        %dma_wait3A_85 = tpu.memref_squeeze %dma_wait3A_84 : memref<1x128xi32, #tpu.memory_space<hbm>> -> memref<128xi32, #tpu.memory_space<hbm>>
        %dma_wait3A_86 = arith.constant 0 : i32
        %dma_wait3A_87 = tpu.memref_slice %arg4[%add3A_51, %dma_wait3A_86] : memref<2528x128xi32, #tpu.memory_space<hbm>> -> memref<1x128xi32, #tpu.memory_space<hbm>>
        %dma_wait3A_88 = tpu.memref_squeeze %dma_wait3A_87 : memref<1x128xi32, #tpu.memory_space<hbm>> -> memref<128xi32, #tpu.memory_space<hbm>>
        tpu.wait_dma2 semaphore(%run_scoped3A : memref<!tpu.dma_semaphore, #tpu.memory_space<semaphore_mem>>) src(%dma_wait3A_88 : memref<128xi32, #tpu.memory_space<hbm>>) dst(%arg12 : memref<128xi32, #tpu.memory_space<vmem>>)
        tpu.yield
      }) : () -> ()
      %dma_start3A_52 = arith.constant 0 : i32
      %dma_start3A_53 = arith.constant 0 : i32
      %dma_start3A_54 = tpu.memref_slice %arg2[%dma_start3A_52, %dma_start3A_53] : memref<10000x128xf32, #tpu.memory_space<hbm>> -> memref<10000x128xf32, #tpu.memory_space<hbm>>
      tpu.enqueue_indirect_dma source(%dma_start3A_54 : memref<10000x128xf32, #tpu.memory_space<hbm>>) target(%arg13 : memref<128x128xf32, #tpu.memory_space<vmem>>) offsets(%arg11 : memref<128xi32, #tpu.memory_space<vmem>>) semaphore(%arg15 : memref<!tpu.dma_semaphore, #tpu.memory_space<semaphore_mem>>)
      %dma_wait3A_55 = arith.constant 0 : i32
      %dma_wait3A_56 = arith.constant 0 : i32
      %dma_wait3A_57 = tpu.memref_slice %arg2[%dma_wait3A_55, %dma_wait3A_56] : memref<10000x128xf32, #tpu.memory_space<hbm>> -> memref<128x128xf32, #tpu.memory_space<hbm>>
      %dma_wait3A_58 = arith.constant 0 : i32
      %dma_wait3A_59 = arith.constant 0 : i32
      %dma_wait3A_60 = tpu.memref_slice %arg2[%dma_wait3A_58, %dma_wait3A_59] : memref<10000x128xf32, #tpu.memory_space<hbm>> -> memref<128x128xf32, #tpu.memory_space<hbm>>
      tpu.wait_dma2 semaphore(%arg14 : memref<!tpu.dma_semaphore, #tpu.memory_space<semaphore_mem>>) src(%dma_wait3A_60 : memref<128x128xf32, #tpu.memory_space<hbm>>) dst(%arg10 : memref<128x128xf32, #tpu.memory_space<vmem>>)
      "tpu.region"() ({
        %run_scoped3A = tpu.sem_alloc : memref<!tpu.dma_semaphore, #tpu.memory_space<semaphore_mem>>
        %dma_start3A_77 = arith.constant 0 : i32
        %dma_start3A_78 = arith.constant 0 : i32
        %dma_start3A_79 = tpu.memref_slice %arg7[%dma_start3A_77, %dma_start3A_78] : memref<10112x128xf32, #tpu.memory_space<vmem_shared>> -> memref<10112x128xf32, #tpu.memory_space<vmem_shared>>
        tpu.enqueue_indirect_dma source(%arg10 : memref<128x128xf32, #tpu.memory_space<vmem>>) target(%dma_start3A_79 : memref<10112x128xf32, #tpu.memory_space<vmem_shared>>) offsets(%arg9 : memref<128xi32, #tpu.memory_space<vmem>>) semaphore(%run_scoped3A : memref<!tpu.dma_semaphore, #tpu.memory_space<semaphore_mem>>) {add = true}
        %dma_wait3A_80 = arith.constant 0 : i32
        %dma_wait3A_81 = arith.constant 0 : i32
        %dma_wait3A_82 = tpu.memref_slice %arg7[%dma_wait3A_80, %dma_wait3A_81] : memref<10112x128xf32, #tpu.memory_space<vmem_shared>> -> memref<10112x128xf32, #tpu.memory_space<vmem_shared>>
        tpu.wait_indirect_dma semaphore(%run_scoped3A : memref<!tpu.dma_semaphore, #tpu.memory_space<semaphore_mem>>) src(%arg10 : memref<128x128xf32, #tpu.memory_space<vmem>>) dst(%dma_wait3A_82 : memref<10112x128xf32, #tpu.memory_space<vmem_shared>>)
        tpu.yield
      }) : () -> ()
      %mul3A_61 = arith.constant 2 : i32
      %mul3A_62 = arith.muli %mul3A_61, %while3A_46 : i32
      %add3A_63 = arith.constant 2 : i32
      %add3A_64 = arith.addi %mul3A_62, %add3A_63 : i32
      %sub3A_65 = arith.constant 2 : i32
      %sub3A_66 = arith.subi %select_n3A_10, %sub3A_65 : i32
      %min3A = arith.minsi %add3A_64, %sub3A_66 : i32
      %add3A_67 = arith.addi %select_n3A, %min3A : i32
      "tpu.region"() ({
        %run_scoped3A = tpu.sem_alloc : memref<!tpu.dma_semaphore, #tpu.memory_space<semaphore_mem>>
        %dma_start3A_77 = arith.constant 0 : i32
        %dma_start3A_78 = tpu.memref_slice %arg3[%add3A_67, %dma_start3A_77] : memref<2528x128xi32, #tpu.memory_space<hbm>> -> memref<1x128xi32, #tpu.memory_space<hbm>>
        %dma_start3A_79 = tpu.memref_squeeze %dma_start3A_78 : memref<1x128xi32, #tpu.memory_space<hbm>> -> memref<128xi32, #tpu.memory_space<hbm>>
        %dma_start3A_80 = arith.constant 0 : i32
        %dma_start3A_81 = tpu.memref_slice %arg3[%add3A_67, %dma_start3A_80] : memref<2528x128xi32, #tpu.memory_space<hbm>> -> memref<1x128xi32, #tpu.memory_space<hbm>>
        %dma_start3A_82 = tpu.memref_squeeze %dma_start3A_81 : memref<1x128xi32, #tpu.memory_space<hbm>> -> memref<128xi32, #tpu.memory_space<hbm>>
        tpu.enqueue_dma source(%dma_start3A_82 : memref<128xi32, #tpu.memory_space<hbm>>) target(%arg8 : memref<128xi32, #tpu.memory_space<vmem>>) target_semaphore(%run_scoped3A : memref<!tpu.dma_semaphore, #tpu.memory_space<semaphore_mem>>)
        %dma_wait3A_83 = arith.constant 0 : i32
        %dma_wait3A_84 = tpu.memref_slice %arg3[%add3A_67, %dma_wait3A_83] : memref<2528x128xi32, #tpu.memory_space<hbm>> -> memref<1x128xi32, #tpu.memory_space<hbm>>
        %dma_wait3A_85 = tpu.memref_squeeze %dma_wait3A_84 : memref<1x128xi32, #tpu.memory_space<hbm>> -> memref<128xi32, #tpu.memory_space<hbm>>
        %dma_wait3A_86 = arith.constant 0 : i32
        %dma_wait3A_87 = tpu.memref_slice %arg3[%add3A_67, %dma_wait3A_86] : memref<2528x128xi32, #tpu.memory_space<hbm>> -> memref<1x128xi32, #tpu.memory_space<hbm>>
        %dma_wait3A_88 = tpu.memref_squeeze %dma_wait3A_87 : memref<1x128xi32, #tpu.memory_space<hbm>> -> memref<128xi32, #tpu.memory_space<hbm>>
        tpu.wait_dma2 semaphore(%run_scoped3A : memref<!tpu.dma_semaphore, #tpu.memory_space<semaphore_mem>>) src(%dma_wait3A_88 : memref<128xi32, #tpu.memory_space<hbm>>) dst(%arg8 : memref<128xi32, #tpu.memory_space<vmem>>)
        tpu.yield
      }) : () -> ()
      "tpu.region"() ({
        %run_scoped3A = tpu.sem_alloc : memref<!tpu.dma_semaphore, #tpu.memory_space<semaphore_mem>>
        %dma_start3A_77 = arith.constant 0 : i32
        %dma_start3A_78 = tpu.memref_slice %arg4[%add3A_67, %dma_start3A_77] : memref<2528x128xi32, #tpu.memory_space<hbm>> -> memref<1x128xi32, #tpu.memory_space<hbm>>
        %dma_start3A_79 = tpu.memref_squeeze %dma_start3A_78 : memref<1x128xi32, #tpu.memory_space<hbm>> -> memref<128xi32, #tpu.memory_space<hbm>>
        %dma_start3A_80 = arith.constant 0 : i32
        %dma_start3A_81 = tpu.memref_slice %arg4[%add3A_67, %dma_start3A_80] : memref<2528x128xi32, #tpu.memory_space<hbm>> -> memref<1x128xi32, #tpu.memory_space<hbm>>
        %dma_start3A_82 = tpu.memref_squeeze %dma_start3A_81 : memref<1x128xi32, #tpu.memory_space<hbm>> -> memref<128xi32, #tpu.memory_space<hbm>>
        tpu.enqueue_dma source(%dma_start3A_82 : memref<128xi32, #tpu.memory_space<hbm>>) target(%arg9 : memref<128xi32, #tpu.memory_space<vmem>>) target_semaphore(%run_scoped3A : memref<!tpu.dma_semaphore, #tpu.memory_space<semaphore_mem>>)
        %dma_wait3A_83 = arith.constant 0 : i32
        %dma_wait3A_84 = tpu.memref_slice %arg4[%add3A_67, %dma_wait3A_83] : memref<2528x128xi32, #tpu.memory_space<hbm>> -> memref<1x128xi32, #tpu.memory_space<hbm>>
        %dma_wait3A_85 = tpu.memref_squeeze %dma_wait3A_84 : memref<1x128xi32, #tpu.memory_space<hbm>> -> memref<128xi32, #tpu.memory_space<hbm>>
        %dma_wait3A_86 = arith.constant 0 : i32
        %dma_wait3A_87 = tpu.memref_slice %arg4[%add3A_67, %dma_wait3A_86] : memref<2528x128xi32, #tpu.memory_space<hbm>> -> memref<1x128xi32, #tpu.memory_space<hbm>>
        %dma_wait3A_88 = tpu.memref_squeeze %dma_wait3A_87 : memref<1x128xi32, #tpu.memory_space<hbm>> -> memref<128xi32, #tpu.memory_space<hbm>>
        tpu.wait_dma2 semaphore(%run_scoped3A : memref<!tpu.dma_semaphore, #tpu.memory_space<semaphore_mem>>) src(%dma_wait3A_88 : memref<128xi32, #tpu.memory_space<hbm>>) dst(%arg9 : memref<128xi32, #tpu.memory_space<vmem>>)
        tpu.yield
      }) : () -> ()
      %dma_start3A_68 = arith.constant 0 : i32
      %dma_start3A_69 = arith.constant 0 : i32
      %dma_start3A_70 = tpu.memref_slice %arg2[%dma_start3A_68, %dma_start3A_69] : memref<10000x128xf32, #tpu.memory_space<hbm>> -> memref<10000x128xf32, #tpu.memory_space<hbm>>
      tpu.enqueue_indirect_dma source(%dma_start3A_70 : memref<10000x128xf32, #tpu.memory_space<hbm>>) target(%arg10 : memref<128x128xf32, #tpu.memory_space<vmem>>) offsets(%arg8 : memref<128xi32, #tpu.memory_space<vmem>>) semaphore(%arg14 : memref<!tpu.dma_semaphore, #tpu.memory_space<semaphore_mem>>)
      %dma_wait3A_71 = arith.constant 0 : i32
      %dma_wait3A_72 = arith.constant 0 : i32
      %dma_wait3A_73 = tpu.memref_slice %arg2[%dma_wait3A_71, %dma_wait3A_72] : memref<10000x128xf32, #tpu.memory_space<hbm>> -> memref<128x128xf32, #tpu.memory_space<hbm>>
      %dma_wait3A_74 = arith.constant 0 : i32
      %dma_wait3A_75 = arith.constant 0 : i32
      %dma_wait3A_76 = tpu.memref_slice %arg2[%dma_wait3A_74, %dma_wait3A_75] : memref<10000x128xf32, #tpu.memory_space<hbm>> -> memref<128x128xf32, #tpu.memory_space<hbm>>
      tpu.wait_dma2 semaphore(%arg15 : memref<!tpu.dma_semaphore, #tpu.memory_space<semaphore_mem>>) src(%dma_wait3A_76 : memref<128x128xf32, #tpu.memory_space<hbm>>) dst(%arg13 : memref<128x128xf32, #tpu.memory_space<vmem>>)
      "tpu.region"() ({
        %run_scoped3A = tpu.sem_alloc : memref<!tpu.dma_semaphore, #tpu.memory_space<semaphore_mem>>
        %dma_start3A_77 = arith.constant 0 : i32
        %dma_start3A_78 = arith.constant 0 : i32
        %dma_start3A_79 = tpu.memref_slice %arg7[%dma_start3A_77, %dma_start3A_78] : memref<10112x128xf32, #tpu.memory_space<vmem_shared>> -> memref<10112x128xf32, #tpu.memory_space<vmem_shared>>
        tpu.enqueue_indirect_dma source(%arg13 : memref<128x128xf32, #tpu.memory_space<vmem>>) target(%dma_start3A_79 : memref<10112x128xf32, #tpu.memory_space<vmem_shared>>) offsets(%arg12 : memref<128xi32, #tpu.memory_space<vmem>>) semaphore(%run_scoped3A : memref<!tpu.dma_semaphore, #tpu.memory_space<semaphore_mem>>) {add = true}
        %dma_wait3A_80 = arith.constant 0 : i32
        %dma_wait3A_81 = arith.constant 0 : i32
        %dma_wait3A_82 = tpu.memref_slice %arg7[%dma_wait3A_80, %dma_wait3A_81] : memref<10112x128xf32, #tpu.memory_space<vmem_shared>> -> memref<10112x128xf32, #tpu.memory_space<vmem_shared>>
        tpu.wait_indirect_dma semaphore(%run_scoped3A : memref<!tpu.dma_semaphore, #tpu.memory_space<semaphore_mem>>) src(%arg13 : memref<128x128xf32, #tpu.memory_space<vmem>>) dst(%dma_wait3A_82 : memref<10112x128xf32, #tpu.memory_space<vmem_shared>>)
        tpu.yield
      }) : () -> ()
    }
    %while3A_39 = arith.constant 1 : i32
    scf.for %while3A_46 = %while3A_37 to %while3A_33 step %while3A_39  : i32 {
      %mul3A_47 = arith.constant 2 : i32
      %mul3A_48 = arith.muli %mul3A_47, %while3A_46 : i32
      %add3A_49 = arith.addi %select_n3A, %mul3A_48 : i32
      %add3A_50 = arith.constant 1 : i32
      %add3A_51 = arith.addi %add3A_49, %add3A_50 : i32
      "tpu.region"() ({
        %run_scoped3A = tpu.sem_alloc : memref<!tpu.dma_semaphore, #tpu.memory_space<semaphore_mem>>
        %dma_start3A_77 = arith.constant 0 : i32
        %dma_start3A_78 = tpu.memref_slice %arg3[%add3A_51, %dma_start3A_77] : memref<2528x128xi32, #tpu.memory_space<hbm>> -> memref<1x128xi32, #tpu.memory_space<hbm>>
        %dma_start3A_79 = tpu.memref_squeeze %dma_start3A_78 : memref<1x128xi32, #tpu.memory_space<hbm>> -> memref<128xi32, #tpu.memory_space<hbm>>
        %dma_start3A_80 = arith.constant 0 : i32
        %dma_start3A_81 = tpu.memref_slice %arg3[%add3A_51, %dma_start3A_80] : memref<2528x128xi32, #tpu.memory_space<hbm>> -> memref<1x128xi32, #tpu.memory_space<hbm>>
        %dma_start3A_82 = tpu.memref_squeeze %dma_start3A_81 : memref<1x128xi32, #tpu.memory_space<hbm>> -> memref<128xi32, #tpu.memory_space<hbm>>
        tpu.enqueue_dma source(%dma_start3A_82 : memref<128xi32, #tpu.memory_space<hbm>>) target(%arg11 : memref<128xi32, #tpu.memory_space<vmem>>) target_semaphore(%run_scoped3A : memref<!tpu.dma_semaphore, #tpu.memory_space<semaphore_mem>>)
        %dma_wait3A_83 = arith.constant 0 : i32
        %dma_wait3A_84 = tpu.memref_slice %arg3[%add3A_51, %dma_wait3A_83] : memref<2528x128xi32, #tpu.memory_space<hbm>> -> memref<1x128xi32, #tpu.memory_space<hbm>>
        %dma_wait3A_85 = tpu.memref_squeeze %dma_wait3A_84 : memref<1x128xi32, #tpu.memory_space<hbm>> -> memref<128xi32, #tpu.memory_space<hbm>>
        %dma_wait3A_86 = arith.constant 0 : i32
        %dma_wait3A_87 = tpu.memref_slice %arg3[%add3A_51, %dma_wait3A_86] : memref<2528x128xi32, #tpu.memory_space<hbm>> -> memref<1x128xi32, #tpu.memory_space<hbm>>
        %dma_wait3A_88 = tpu.memref_squeeze %dma_wait3A_87 : memref<1x128xi32, #tpu.memory_space<hbm>> -> memref<128xi32, #tpu.memory_space<hbm>>
        tpu.wait_dma2 semaphore(%run_scoped3A : memref<!tpu.dma_semaphore, #tpu.memory_space<semaphore_mem>>) src(%dma_wait3A_88 : memref<128xi32, #tpu.memory_space<hbm>>) dst(%arg11 : memref<128xi32, #tpu.memory_space<vmem>>)
        tpu.yield
      }) : () -> ()
      "tpu.region"() ({
        %run_scoped3A = tpu.sem_alloc : memref<!tpu.dma_semaphore, #tpu.memory_space<semaphore_mem>>
        %dma_start3A_77 = arith.constant 0 : i32
        %dma_start3A_78 = tpu.memref_slice %arg4[%add3A_51, %dma_start3A_77] : memref<2528x128xi32, #tpu.memory_space<hbm>> -> memref<1x128xi32, #tpu.memory_space<hbm>>
        %dma_start3A_79 = tpu.memref_squeeze %dma_start3A_78 : memref<1x128xi32, #tpu.memory_space<hbm>> -> memref<128xi32, #tpu.memory_space<hbm>>
        %dma_start3A_80 = arith.constant 0 : i32
        %dma_start3A_81 = tpu.memref_slice %arg4[%add3A_51, %dma_start3A_80] : memref<2528x128xi32, #tpu.memory_space<hbm>> -> memref<1x128xi32, #tpu.memory_space<hbm>>
        %dma_start3A_82 = tpu.memref_squeeze %dma_start3A_81 : memref<1x128xi32, #tpu.memory_space<hbm>> -> memref<128xi32, #tpu.memory_space<hbm>>
        tpu.enqueue_dma source(%dma_start3A_82 : memref<128xi32, #tpu.memory_space<hbm>>) target(%arg12 : memref<128xi32, #tpu.memory_space<vmem>>) target_semaphore(%run_scoped3A : memref<!tpu.dma_semaphore, #tpu.memory_space<semaphore_mem>>)
        %dma_wait3A_83 = arith.constant 0 : i32
        %dma_wait3A_84 = tpu.memref_slice %arg4[%add3A_51, %dma_wait3A_83] : memref<2528x128xi32, #tpu.memory_space<hbm>> -> memref<1x128xi32, #tpu.memory_space<hbm>>
        %dma_wait3A_85 = tpu.memref_squeeze %dma_wait3A_84 : memref<1x128xi32, #tpu.memory_space<hbm>> -> memref<128xi32, #tpu.memory_space<hbm>>
        %dma_wait3A_86 = arith.constant 0 : i32
        %dma_wait3A_87 = tpu.memref_slice %arg4[%add3A_51, %dma_wait3A_86] : memref<2528x128xi32, #tpu.memory_space<hbm>> -> memref<1x128xi32, #tpu.memory_space<hbm>>
        %dma_wait3A_88 = tpu.memref_squeeze %dma_wait3A_87 : memref<1x128xi32, #tpu.memory_space<hbm>> -> memref<128xi32, #tpu.memory_space<hbm>>
        tpu.wait_dma2 semaphore(%run_scoped3A : memref<!tpu.dma_semaphore, #tpu.memory_space<semaphore_mem>>) src(%dma_wait3A_88 : memref<128xi32, #tpu.memory_space<hbm>>) dst(%arg12 : memref<128xi32, #tpu.memory_space<vmem>>)
        tpu.yield
      }) : () -> ()
      %dma_start3A_52 = arith.constant 0 : i32
      %dma_start3A_53 = arith.constant 0 : i32
      %dma_start3A_54 = tpu.memref_slice %arg2[%dma_start3A_52, %dma_start3A_53] : memref<10000x128xf32, #tpu.memory_space<hbm>> -> memref<10000x128xf32, #tpu.memory_space<hbm>>
      tpu.enqueue_indirect_dma source(%dma_start3A_54 : memref<10000x128xf32, #tpu.memory_space<hbm>>) target(%arg13 : memref<128x128xf32, #tpu.memory_space<vmem>>) offsets(%arg11 : memref<128xi32, #tpu.memory_space<vmem>>) semaphore(%arg15 : memref<!tpu.dma_semaphore, #tpu.memory_space<semaphore_mem>>)
      %dma_wait3A_55 = arith.constant 0 : i32
      %dma_wait3A_56 = arith.constant 0 : i32
      %dma_wait3A_57 = tpu.memref_slice %arg2[%dma_wait3A_55, %dma_wait3A_56] : memref<10000x128xf32, #tpu.memory_space<hbm>> -> memref<128x128xf32, #tpu.memory_space<hbm>>
      %dma_wait3A_58 = arith.constant 0 : i32
      %dma_wait3A_59 = arith.constant 0 : i32
      %dma_wait3A_60 = tpu.memref_slice %arg2[%dma_wait3A_58, %dma_wait3A_59] : memref<10000x128xf32, #tpu.memory_space<hbm>> -> memref<128x128xf32, #tpu.memory_space<hbm>>
      tpu.wait_dma2 semaphore(%arg14 : memref<!tpu.dma_semaphore, #tpu.memory_space<semaphore_mem>>) src(%dma_wait3A_60 : memref<128x128xf32, #tpu.memory_space<hbm>>) dst(%arg10 : memref<128x128xf32, #tpu.memory_space<vmem>>)
      "tpu.region"() ({
        %run_scoped3A = tpu.sem_alloc : memref<!tpu.dma_semaphore, #tpu.memory_space<semaphore_mem>>
        %dma_start3A_77 = arith.constant 0 : i32
        %dma_start3A_78 = arith.constant 0 : i32
        %dma_start3A_79 = tpu.memref_slice %arg7[%dma_start3A_77, %dma_start3A_78] : memref<10112x128xf32, #tpu.memory_space<vmem_shared>> -> memref<10112x128xf32, #tpu.memory_space<vmem_shared>>
        tpu.enqueue_indirect_dma source(%arg10 : memref<128x128xf32, #tpu.memory_space<vmem>>) target(%dma_start3A_79 : memref<10112x128xf32, #tpu.memory_space<vmem_shared>>) offsets(%arg9 : memref<128xi32, #tpu.memory_space<vmem>>) semaphore(%run_scoped3A : memref<!tpu.dma_semaphore, #tpu.memory_space<semaphore_mem>>) {add = true}
        %dma_wait3A_80 = arith.constant 0 : i32
        %dma_wait3A_81 = arith.constant 0 : i32
        %dma_wait3A_82 = tpu.memref_slice %arg7[%dma_wait3A_80, %dma_wait3A_81] : memref<10112x128xf32, #tpu.memory_space<vmem_shared>> -> memref<10112x128xf32, #tpu.memory_space<vmem_shared>>
        tpu.wait_indirect_dma semaphore(%run_scoped3A : memref<!tpu.dma_semaphore, #tpu.memory_space<semaphore_mem>>) src(%arg10 : memref<128x128xf32, #tpu.memory_space<vmem>>) dst(%dma_wait3A_82 : memref<10112x128xf32, #tpu.memory_space<vmem_shared>>)
        tpu.yield
      }) : () -> ()
      %mul3A_61 = arith.constant 2 : i32
      %mul3A_62 = arith.muli %mul3A_61, %while3A_46 : i32
      %add3A_63 = arith.constant 2 : i32
      %add3A_64 = arith.addi %mul3A_62, %add3A_63 : i32
      %sub3A_65 = arith.constant 2 : i32
      %sub3A_66 = arith.subi %select_n3A_10, %sub3A_65 : i32
      %min3A = arith.minsi %add3A_64, %sub3A_66 : i32
      %add3A_67 = arith.addi %select_n3A, %min3A : i32
      "tpu.region"() ({
        %run_scoped3A = tpu.sem_alloc : memref<!tpu.dma_semaphore, #tpu.memory_space<semaphore_mem>>
        %dma_start3A_77 = arith.constant 0 : i32
        %dma_start3A_78 = tpu.memref_slice %arg3[%add3A_67, %dma_start3A_77] : memref<2528x128xi32, #tpu.memory_space<hbm>> -> memref<1x128xi32, #tpu.memory_space<hbm>>
        %dma_start3A_79 = tpu.memref_squeeze %dma_start3A_78 : memref<1x128xi32, #tpu.memory_space<hbm>> -> memref<128xi32, #tpu.memory_space<hbm>>
        %dma_start3A_80 = arith.constant 0 : i32
        %dma_start3A_81 = tpu.memref_slice %arg3[%add3A_67, %dma_start3A_80] : memref<2528x128xi32, #tpu.memory_space<hbm>> -> memref<1x128xi32, #tpu.memory_space<hbm>>
        %dma_start3A_82 = tpu.memref_squeeze %dma_start3A_81 : memref<1x128xi32, #tpu.memory_space<hbm>> -> memref<128xi32, #tpu.memory_space<hbm>>
        tpu.enqueue_dma source(%dma_start3A_82 : memref<128xi32, #tpu.memory_space<hbm>>) target(%arg8 : memref<128xi32, #tpu.memory_space<vmem>>) target_semaphore(%run_scoped3A : memref<!tpu.dma_semaphore, #tpu.memory_space<semaphore_mem>>)
        %dma_wait3A_83 = arith.constant 0 : i32
        %dma_wait3A_84 = tpu.memref_slice %arg3[%add3A_67, %dma_wait3A_83] : memref<2528x128xi32, #tpu.memory_space<hbm>> -> memref<1x128xi32, #tpu.memory_space<hbm>>
        %dma_wait3A_85 = tpu.memref_squeeze %dma_wait3A_84 : memref<1x128xi32, #tpu.memory_space<hbm>> -> memref<128xi32, #tpu.memory_space<hbm>>
        %dma_wait3A_86 = arith.constant 0 : i32
        %dma_wait3A_87 = tpu.memref_slice %arg3[%add3A_67, %dma_wait3A_86] : memref<2528x128xi32, #tpu.memory_space<hbm>> -> memref<1x128xi32, #tpu.memory_space<hbm>>
        %dma_wait3A_88 = tpu.memref_squeeze %dma_wait3A_87 : memref<1x128xi32, #tpu.memory_space<hbm>> -> memref<128xi32, #tpu.memory_space<hbm>>
        tpu.wait_dma2 semaphore(%run_scoped3A : memref<!tpu.dma_semaphore, #tpu.memory_space<semaphore_mem>>) src(%dma_wait3A_88 : memref<128xi32, #tpu.memory_space<hbm>>) dst(%arg8 : memref<128xi32, #tpu.memory_space<vmem>>)
        tpu.yield
      }) : () -> ()
      "tpu.region"() ({
        %run_scoped3A = tpu.sem_alloc : memref<!tpu.dma_semaphore, #tpu.memory_space<semaphore_mem>>
        %dma_start3A_77 = arith.constant 0 : i32
        %dma_start3A_78 = tpu.memref_slice %arg4[%add3A_67, %dma_start3A_77] : memref<2528x128xi32, #tpu.memory_space<hbm>> -> memref<1x128xi32, #tpu.memory_space<hbm>>
        %dma_start3A_79 = tpu.memref_squeeze %dma_start3A_78 : memref<1x128xi32, #tpu.memory_space<hbm>> -> memref<128xi32, #tpu.memory_space<hbm>>
        %dma_start3A_80 = arith.constant 0 : i32
        %dma_start3A_81 = tpu.memref_slice %arg4[%add3A_67, %dma_start3A_80] : memref<2528x128xi32, #tpu.memory_space<hbm>> -> memref<1x128xi32, #tpu.memory_space<hbm>>
        %dma_start3A_82 = tpu.memref_squeeze %dma_start3A_81 : memref<1x128xi32, #tpu.memory_space<hbm>> -> memref<128xi32, #tpu.memory_space<hbm>>
        tpu.enqueue_dma source(%dma_start3A_82 : memref<128xi32, #tpu.memory_space<hbm>>) target(%arg9 : memref<128xi32, #tpu.memory_space<vmem>>) target_semaphore(%run_scoped3A : memref<!tpu.dma_semaphore, #tpu.memory_space<semaphore_mem>>)
        %dma_wait3A_83 = arith.constant 0 : i32
        %dma_wait3A_84 = tpu.memref_slice %arg4[%add3A_67, %dma_wait3A_83] : memref<2528x128xi32, #tpu.memory_space<hbm>> -> memref<1x128xi32, #tpu.memory_space<hbm>>
        %dma_wait3A_85 = tpu.memref_squeeze %dma_wait3A_84 : memref<1x128xi32, #tpu.memory_space<hbm>> -> memref<128xi32, #tpu.memory_space<hbm>>
        %dma_wait3A_86 = arith.constant 0 : i32
        %dma_wait3A_87 = tpu.memref_slice %arg4[%add3A_67, %dma_wait3A_86] : memref<2528x128xi32, #tpu.memory_space<hbm>> -> memref<1x128xi32, #tpu.memory_space<hbm>>
        %dma_wait3A_88 = tpu.memref_squeeze %dma_wait3A_87 : memref<1x128xi32, #tpu.memory_space<hbm>> -> memref<128xi32, #tpu.memory_space<hbm>>
        tpu.wait_dma2 semaphore(%run_scoped3A : memref<!tpu.dma_semaphore, #tpu.memory_space<semaphore_mem>>) src(%dma_wait3A_88 : memref<128xi32, #tpu.memory_space<hbm>>) dst(%arg9 : memref<128xi32, #tpu.memory_space<vmem>>)
        tpu.yield
      }) : () -> ()
      %dma_start3A_68 = arith.constant 0 : i32
      %dma_start3A_69 = arith.constant 0 : i32
      %dma_start3A_70 = tpu.memref_slice %arg2[%dma_start3A_68, %dma_start3A_69] : memref<10000x128xf32, #tpu.memory_space<hbm>> -> memref<10000x128xf32, #tpu.memory_space<hbm>>
      tpu.enqueue_indirect_dma source(%dma_start3A_70 : memref<10000x128xf32, #tpu.memory_space<hbm>>) target(%arg10 : memref<128x128xf32, #tpu.memory_space<vmem>>) offsets(%arg8 : memref<128xi32, #tpu.memory_space<vmem>>) semaphore(%arg14 : memref<!tpu.dma_semaphore, #tpu.memory_space<semaphore_mem>>)
      %dma_wait3A_71 = arith.constant 0 : i32
      %dma_wait3A_72 = arith.constant 0 : i32
      %dma_wait3A_73 = tpu.memref_slice %arg2[%dma_wait3A_71, %dma_wait3A_72] : memref<10000x128xf32, #tpu.memory_space<hbm>> -> memref<128x128xf32, #tpu.memory_space<hbm>>
      %dma_wait3A_74 = arith.constant 0 : i32
      %dma_wait3A_75 = arith.constant 0 : i32
      %dma_wait3A_76 = tpu.memref_slice %arg2[%dma_wait3A_74, %dma_wait3A_75] : memref<10000x128xf32, #tpu.memory_space<hbm>> -> memref<128x128xf32, #tpu.memory_space<hbm>>
      tpu.wait_dma2 semaphore(%arg15 : memref<!tpu.dma_semaphore, #tpu.memory_space<semaphore_mem>>) src(%dma_wait3A_76 : memref<128x128xf32, #tpu.memory_space<hbm>>) dst(%arg13 : memref<128x128xf32, #tpu.memory_space<vmem>>)
      "tpu.region"() ({
        %run_scoped3A = tpu.sem_alloc : memref<!tpu.dma_semaphore, #tpu.memory_space<semaphore_mem>>
        %dma_start3A_77 = arith.constant 0 : i32
        %dma_start3A_78 = arith.constant 0 : i32
        %dma_start3A_79 = tpu.memref_slice %arg7[%dma_start3A_77, %dma_start3A_78] : memref<10112x128xf32, #tpu.memory_space<vmem_shared>> -> memref<10112x128xf32, #tpu.memory_space<vmem_shared>>
        tpu.enqueue_indirect_dma source(%arg13 : memref<128x128xf32, #tpu.memory_space<vmem>>) target(%dma_start3A_79 : memref<10112x128xf32, #tpu.memory_space<vmem_shared>>) offsets(%arg12 : memref<128xi32, #tpu.memory_space<vmem>>) semaphore(%run_scoped3A : memref<!tpu.dma_semaphore, #tpu.memory_space<semaphore_mem>>) {add = true}
        %dma_wait3A_80 = arith.constant 0 : i32
        %dma_wait3A_81 = arith.constant 0 : i32
        %dma_wait3A_82 = tpu.memref_slice %arg7[%dma_wait3A_80, %dma_wait3A_81] : memref<10112x128xf32, #tpu.memory_space<vmem_shared>> -> memref<10112x128xf32, #tpu.memory_space<vmem_shared>>
        tpu.wait_indirect_dma semaphore(%run_scoped3A : memref<!tpu.dma_semaphore, #tpu.memory_space<semaphore_mem>>) src(%arg13 : memref<128x128xf32, #tpu.memory_space<vmem>>) dst(%dma_wait3A_82 : memref<10112x128xf32, #tpu.memory_space<vmem_shared>>)
        tpu.yield
      }) : () -> ()
    }
    %dma_wait3A = arith.constant 0 : i32
    %dma_wait3A_40 = arith.constant 0 : i32
    %dma_wait3A_41 = tpu.memref_slice %arg2[%dma_wait3A, %dma_wait3A_40] : memref<10000x128xf32, #tpu.memory_space<hbm>> -> memref<128x128xf32, #tpu.memory_space<hbm>>
    %dma_wait3A_42 = arith.constant 0 : i32
    %dma_wait3A_43 = arith.constant 0 : i32
    %dma_wait3A_44 = tpu.memref_slice %arg2[%dma_wait3A_42, %dma_wait3A_43] : memref<10000x128xf32, #tpu.memory_space<hbm>> -> memref<128x128xf32, #tpu.memory_space<hbm>>
    tpu.wait_dma2 semaphore(%arg14 : memref<!tpu.dma_semaphore, #tpu.memory_space<semaphore_mem>>) src(%dma_wait3A_44 : memref<128x128xf32, #tpu.memory_space<hbm>>) dst(%arg10 : memref<128x128xf32, #tpu.memory_space<vmem>>)
    %barrier3A_45 = arith.constant 0 : index
    tpu.barrier barrier_id(%barrier3A_45)
    "tpu.region"() ({
      %run_scoped3A = tpu.sem_alloc : memref<!tpu.dma_semaphore, #tpu.memory_space<semaphore_mem>>
      %dma_start3A_46 = arith.constant 0 : i32
      %dma_start3A_47 = tpu.memref_slice %arg6[%arg0, %mul3A_0, %dma_start3A_46] : memref<2x10112x128xf32, #tpu.memory_space<hbm>> -> memref<1x632x128xf32, #tpu.memory_space<hbm>>
      %dma_start3A_48 = tpu.memref_squeeze %dma_start3A_47 : memref<1x632x128xf32, #tpu.memory_space<hbm>> -> memref<632x128xf32, #tpu.memory_space<hbm>>
      %dma_start3A_49 = arith.constant 0 : i32
      %dma_start3A_50 = tpu.memref_slice %arg7[%mul3A_0, %dma_start3A_49] : memref<10112x128xf32, #tpu.memory_space<vmem_shared>> -> memref<632x128xf32, #tpu.memory_space<vmem_shared>>
      tpu.enqueue_dma source(%dma_start3A_50 : memref<632x128xf32, #tpu.memory_space<vmem_shared>>) target(%dma_start3A_48 : memref<632x128xf32, #tpu.memory_space<hbm>>) target_semaphore(%run_scoped3A : memref<!tpu.dma_semaphore, #tpu.memory_space<semaphore_mem>>)
      %dma_wait3A_51 = arith.constant 0 : i32
      %dma_wait3A_52 = tpu.memref_slice %arg6[%arg0, %mul3A_0, %dma_wait3A_51] : memref<2x10112x128xf32, #tpu.memory_space<hbm>> -> memref<1x632x128xf32, #tpu.memory_space<hbm>>
      %dma_wait3A_53 = tpu.memref_squeeze %dma_wait3A_52 : memref<1x632x128xf32, #tpu.memory_space<hbm>> -> memref<632x128xf32, #tpu.memory_space<hbm>>
      %dma_wait3A_54 = arith.constant 0 : i32
      %dma_wait3A_55 = tpu.memref_slice %arg7[%mul3A_0, %dma_wait3A_54] : memref<10112x128xf32, #tpu.memory_space<vmem_shared>> -> memref<632x128xf32, #tpu.memory_space<vmem_shared>>
      tpu.wait_dma2 semaphore(%run_scoped3A : memref<!tpu.dma_semaphore, #tpu.memory_space<semaphore_mem>>) src(%dma_wait3A_55 : memref<632x128xf32, #tpu.memory_space<vmem_shared>>) dst(%dma_wait3A_53 : memref<632x128xf32, #tpu.memory_space<hbm>>)
      tpu.yield
    }) : () -> ()
    return
  }
}

#map = affine_map<(d0, d1) -> (0, 0)>
#map1 = affine_map<(d0, d1) -> (0, 0, 0)>
module attributes {stable_mosaic.version = 14 : i64} {
  func.func @body(%arg0: i32, %arg1: i32, %arg2: memref<2528x128xi32, #tpu.memory_space<hbm>>, %arg3: memref<632x128xf32, #tpu.memory_space<hbm>>, %arg4: memref<128x128xf32, #tpu.memory_space<hbm>>, %arg5: memref<2x10112x128xf32, #tpu.memory_space<hbm>>, %arg6: memref<10112x128xf32, #tpu.memory_space<vmem_shared>>, %arg7: memref<128xi32, #tpu.memory_space<vmem>>, %arg8: memref<128x128xf32, #tpu.memory_space<vmem>>) attributes {dimension_semantics = [#tpu.dimension_semantics<core_parallel>, #tpu.dimension_semantics<subcore_parallel>], iteration_bounds = array<i64: 2, 16>, scalar_prefetch = 0 : i64, scratch_operands = 3 : i64, tpu.core_type = #tpu.core_type<sc_vector_subcore>, window_params = [{transform_indices = #map}, {transform_indices = #map}, {transform_indices = #map}, {transform_indices = #map1}]} {
    %mul3A = arith.constant 16 : i32
    %mul3A_0 = arith.muli %arg0, %mul3A : i32
    %add3A = arith.addi %mul3A_0, %arg1 : i32
    %mul3A_1 = arith.constant 632 : i32
    %mul3A_2 = arith.muli %arg1, %mul3A_1 : i32
    "tpu.region"() ({
      %run_scoped3A = tpu.sem_alloc : memref<!tpu.dma_semaphore, #tpu.memory_space<semaphore_mem>>
      %dma_start3A = arith.constant 0 : i32
      %dma_start3A_9 = tpu.memref_slice %arg6[%mul3A_2, %dma_start3A] : memref<10112x128xf32, #tpu.memory_space<vmem_shared>> -> memref<632x128xf32, #tpu.memory_space<vmem_shared>>
      tpu.enqueue_dma source(%arg3 : memref<632x128xf32, #tpu.memory_space<hbm>>) target(%dma_start3A_9 : memref<632x128xf32, #tpu.memory_space<vmem_shared>>) target_semaphore(%run_scoped3A : memref<!tpu.dma_semaphore, #tpu.memory_space<semaphore_mem>>)
      %dma_wait3A = arith.constant 0 : i32
      %dma_wait3A_10 = tpu.memref_slice %arg6[%mul3A_2, %dma_wait3A] : memref<10112x128xf32, #tpu.memory_space<vmem_shared>> -> memref<632x128xf32, #tpu.memory_space<vmem_shared>>
      tpu.wait_dma2 semaphore(%run_scoped3A : memref<!tpu.dma_semaphore, #tpu.memory_space<semaphore_mem>>) src(%arg3 : memref<632x128xf32, #tpu.memory_space<hbm>>) dst(%dma_wait3A_10 : memref<632x128xf32, #tpu.memory_space<vmem_shared>>)
      tpu.yield
    }) : () -> ()
    "tpu.region"() ({
      %run_scoped3A = tpu.sem_alloc : memref<!tpu.dma_semaphore, #tpu.memory_space<semaphore_mem>>
      tpu.enqueue_dma source(%arg4 : memref<128x128xf32, #tpu.memory_space<hbm>>) target(%arg8 : memref<128x128xf32, #tpu.memory_space<vmem>>) target_semaphore(%run_scoped3A : memref<!tpu.dma_semaphore, #tpu.memory_space<semaphore_mem>>)
      tpu.wait_dma2 semaphore(%run_scoped3A : memref<!tpu.dma_semaphore, #tpu.memory_space<semaphore_mem>>) src(%arg4 : memref<128x128xf32, #tpu.memory_space<hbm>>) dst(%arg8 : memref<128x128xf32, #tpu.memory_space<vmem>>)
      tpu.yield
    }) : () -> ()
    %barrier3A = arith.constant 0 : index
    tpu.barrier barrier_id(%barrier3A)
    %scan3A = arith.constant 0 : i32
    %scan3A_3 = arith.constant 0 : i32
    %scan3A_4 = arith.constant 79 : i32
    %scan3A_5 = arith.addi %scan3A_3, %scan3A_4 : i32
    %scan3A_6 = arith.constant 1 : i32
    scf.for %scan3A_9 = %scan3A_3 to %scan3A_5 step %scan3A_6  : i32 {
      %mul3A_10 = arith.constant 79 : i32
      %mul3A_11 = arith.muli %add3A, %mul3A_10 : i32
      %add3A_12 = arith.addi %mul3A_11, %scan3A_9 : i32
      "tpu.region"() ({
        %run_scoped3A = tpu.sem_alloc : memref<!tpu.dma_semaphore, #tpu.memory_space<semaphore_mem>>
        %dma_start3A = arith.constant 0 : i32
        %dma_start3A_13 = tpu.memref_slice %arg2[%add3A_12, %dma_start3A] : memref<2528x128xi32, #tpu.memory_space<hbm>> -> memref<1x128xi32, #tpu.memory_space<hbm>>
        %dma_start3A_14 = tpu.memref_squeeze %dma_start3A_13 : memref<1x128xi32, #tpu.memory_space<hbm>> -> memref<128xi32, #tpu.memory_space<hbm>>
        %dma_start3A_15 = arith.constant 0 : i32
        %dma_start3A_16 = tpu.memref_slice %arg2[%add3A_12, %dma_start3A_15] : memref<2528x128xi32, #tpu.memory_space<hbm>> -> memref<1x128xi32, #tpu.memory_space<hbm>>
        %dma_start3A_17 = tpu.memref_squeeze %dma_start3A_16 : memref<1x128xi32, #tpu.memory_space<hbm>> -> memref<128xi32, #tpu.memory_space<hbm>>
        tpu.enqueue_dma source(%dma_start3A_17 : memref<128xi32, #tpu.memory_space<hbm>>) target(%arg7 : memref<128xi32, #tpu.memory_space<vmem>>) target_semaphore(%run_scoped3A : memref<!tpu.dma_semaphore, #tpu.memory_space<semaphore_mem>>)
        %dma_wait3A = arith.constant 0 : i32
        %dma_wait3A_18 = tpu.memref_slice %arg2[%add3A_12, %dma_wait3A] : memref<2528x128xi32, #tpu.memory_space<hbm>> -> memref<1x128xi32, #tpu.memory_space<hbm>>
        %dma_wait3A_19 = tpu.memref_squeeze %dma_wait3A_18 : memref<1x128xi32, #tpu.memory_space<hbm>> -> memref<128xi32, #tpu.memory_space<hbm>>
        %dma_wait3A_20 = arith.constant 0 : i32
        %dma_wait3A_21 = tpu.memref_slice %arg2[%add3A_12, %dma_wait3A_20] : memref<2528x128xi32, #tpu.memory_space<hbm>> -> memref<1x128xi32, #tpu.memory_space<hbm>>
        %dma_wait3A_22 = tpu.memref_squeeze %dma_wait3A_21 : memref<1x128xi32, #tpu.memory_space<hbm>> -> memref<128xi32, #tpu.memory_space<hbm>>
        tpu.wait_dma2 semaphore(%run_scoped3A : memref<!tpu.dma_semaphore, #tpu.memory_space<semaphore_mem>>) src(%dma_wait3A_22 : memref<128xi32, #tpu.memory_space<hbm>>) dst(%arg7 : memref<128xi32, #tpu.memory_space<vmem>>)
        tpu.yield
      }) : () -> ()
      "tpu.region"() ({
        %run_scoped3A = tpu.sem_alloc : memref<!tpu.dma_semaphore, #tpu.memory_space<semaphore_mem>>
        %dma_start3A = arith.constant 0 : i32
        %dma_start3A_13 = arith.constant 0 : i32
        %dma_start3A_14 = tpu.memref_slice %arg6[%dma_start3A, %dma_start3A_13] : memref<10112x128xf32, #tpu.memory_space<vmem_shared>> -> memref<10112x128xf32, #tpu.memory_space<vmem_shared>>
        tpu.enqueue_indirect_dma source(%arg8 : memref<128x128xf32, #tpu.memory_space<vmem>>) target(%dma_start3A_14 : memref<10112x128xf32, #tpu.memory_space<vmem_shared>>) offsets(%arg7 : memref<128xi32, #tpu.memory_space<vmem>>) semaphore(%run_scoped3A : memref<!tpu.dma_semaphore, #tpu.memory_space<semaphore_mem>>) {add = true}
        %dma_wait3A = arith.constant 0 : i32
        %dma_wait3A_15 = arith.constant 0 : i32
        %dma_wait3A_16 = tpu.memref_slice %arg6[%dma_wait3A, %dma_wait3A_15] : memref<10112x128xf32, #tpu.memory_space<vmem_shared>> -> memref<10112x128xf32, #tpu.memory_space<vmem_shared>>
        tpu.wait_indirect_dma semaphore(%run_scoped3A : memref<!tpu.dma_semaphore, #tpu.memory_space<semaphore_mem>>) src(%arg8 : memref<128x128xf32, #tpu.memory_space<vmem>>) dst(%dma_wait3A_16 : memref<10112x128xf32, #tpu.memory_space<vmem_shared>>)
        tpu.yield
      }) : () -> ()
    }
    %scan3A_7 = arith.constant 79 : i32
    %barrier3A_8 = arith.constant 0 : index
    tpu.barrier barrier_id(%barrier3A_8)
    "tpu.region"() ({
      %run_scoped3A = tpu.sem_alloc : memref<!tpu.dma_semaphore, #tpu.memory_space<semaphore_mem>>
      %dma_start3A = arith.constant 0 : i32
      %dma_start3A_9 = tpu.memref_slice %arg5[%arg0, %mul3A_2, %dma_start3A] : memref<2x10112x128xf32, #tpu.memory_space<hbm>> -> memref<1x632x128xf32, #tpu.memory_space<hbm>>
      %dma_start3A_10 = tpu.memref_squeeze %dma_start3A_9 : memref<1x632x128xf32, #tpu.memory_space<hbm>> -> memref<632x128xf32, #tpu.memory_space<hbm>>
      %dma_start3A_11 = arith.constant 0 : i32
      %dma_start3A_12 = tpu.memref_slice %arg6[%mul3A_2, %dma_start3A_11] : memref<10112x128xf32, #tpu.memory_space<vmem_shared>> -> memref<632x128xf32, #tpu.memory_space<vmem_shared>>
      tpu.enqueue_dma source(%dma_start3A_12 : memref<632x128xf32, #tpu.memory_space<vmem_shared>>) target(%dma_start3A_10 : memref<632x128xf32, #tpu.memory_space<hbm>>) target_semaphore(%run_scoped3A : memref<!tpu.dma_semaphore, #tpu.memory_space<semaphore_mem>>)
      %dma_wait3A = arith.constant 0 : i32
      %dma_wait3A_13 = tpu.memref_slice %arg5[%arg0, %mul3A_2, %dma_wait3A] : memref<2x10112x128xf32, #tpu.memory_space<hbm>> -> memref<1x632x128xf32, #tpu.memory_space<hbm>>
      %dma_wait3A_14 = tpu.memref_squeeze %dma_wait3A_13 : memref<1x632x128xf32, #tpu.memory_space<hbm>> -> memref<632x128xf32, #tpu.memory_space<hbm>>
      %dma_wait3A_15 = arith.constant 0 : i32
      %dma_wait3A_16 = tpu.memref_slice %arg6[%mul3A_2, %dma_wait3A_15] : memref<10112x128xf32, #tpu.memory_space<vmem_shared>> -> memref<632x128xf32, #tpu.memory_space<vmem_shared>>
      tpu.wait_dma2 semaphore(%run_scoped3A : memref<!tpu.dma_semaphore, #tpu.memory_space<semaphore_mem>>) src(%dma_wait3A_16 : memref<632x128xf32, #tpu.memory_space<vmem_shared>>) dst(%dma_wait3A_14 : memref<632x128xf32, #tpu.memory_space<hbm>>)
      tpu.yield
    }) : () -> ()
    return
  }
}

#map = affine_map<(d0, d1) -> (0, 0)>
#map1 = affine_map<(d0, d1) -> (0, 0, 0)>
module attributes {stable_mosaic.version = 14 : i64} {
  func.func @body(%arg0: i32, %arg1: i32, %arg2: memref<10000x128xf32, #tpu.memory_space<hbm>>, %arg3: memref<2528x128xi32, #tpu.memory_space<hbm>>, %arg4: memref<2528x128xi32, #tpu.memory_space<hbm>>, %arg5: memref<632x128xf32, #tpu.memory_space<hbm>>, %arg6: memref<2x10112x128xf32, #tpu.memory_space<hbm>>, %arg7: memref<10112x128xf32, #tpu.memory_space<vmem_shared>>, %arg8: memref<128xi32, #tpu.memory_space<vmem>>, %arg9: memref<128xi32, #tpu.memory_space<vmem>>, %arg10: memref<128x128xf32, #tpu.memory_space<vmem>>, %arg11: memref<128xi32, #tpu.memory_space<vmem>>, %arg12: memref<128xi32, #tpu.memory_space<vmem>>, %arg13: memref<128x128xf32, #tpu.memory_space<vmem>>, %arg14: memref<!tpu.dma_semaphore, #tpu.memory_space<semaphore_mem>>, %arg15: memref<!tpu.dma_semaphore, #tpu.memory_space<semaphore_mem>>) attributes {dimension_semantics = [#tpu.dimension_semantics<core_parallel>, #tpu.dimension_semantics<subcore_parallel>], iteration_bounds = array<i64: 2, 16>, scalar_prefetch = 0 : i64, scratch_operands = 9 : i64, tpu.core_type = #tpu.core_type<sc_vector_subcore>, window_params = [{transform_indices = #map}, {transform_indices = #map}, {transform_indices = #map}, {transform_indices = #map}, {transform_indices = #map1}]} {
    %mul3A = arith.constant 632 : i32
    %mul3A_0 = arith.muli %arg1, %mul3A : i32
    %eq3A = arith.constant 0 : i32
    %eq3A_1 = arith.cmpi eq, %arg0, %eq3A : i32
    %mul3A_2 = arith.constant 112 : i32
    %mul3A_3 = arith.muli %arg1, %mul3A_2 : i32
    %mul3A_4 = arith.constant 46 : i32
    %mul3A_5 = arith.muli %arg1, %mul3A_4 : i32
    %add3A = arith.constant 1792 : i32
    %add3A_6 = arith.addi %add3A, %mul3A_5 : i32
    %select_n3A = arith.select %eq3A_1, %mul3A_3, %add3A_6 : i32
    %eq3A_7 = arith.constant 0 : i32
    %eq3A_8 = arith.cmpi eq, %arg0, %eq3A_7 : i32
    %jit3A = arith.constant 112 : i32
    %jit3A_9 = arith.constant 46 : i32
    %select_n3A_10 = arith.select %eq3A_8, %jit3A, %jit3A_9 : i32
    %jit3A_11 = arith.constant 2 : i32
    %div3A = arith.divsi %select_n3A_10, %jit3A_11 : i32
    %sign3A = arith.constant 0 : i32
    %sign3A_12 = arith.cmpi sgt, %select_n3A_10, %sign3A : i32
    %sign3A_13 = arith.extui %sign3A_12 : i1 to i32
    %sign3A_14 = arith.constant 0 : i32
    %sign3A_15 = arith.cmpi slt, %select_n3A_10, %sign3A_14 : i32
    %sign3A_16 = arith.extui %sign3A_15 : i1 to i32
    %sign3A_17 = arith.subi %sign3A_13, %sign3A_16 : i32
    %sign3A_18 = arith.constant 0 : i32
    %sign3A_19 = arith.cmpi sgt, %jit3A_11, %sign3A_18 : i32
    %sign3A_20 = arith.extui %sign3A_19 : i1 to i32
    %sign3A_21 = arith.constant 0 : i32
    %sign3A_22 = arith.cmpi slt, %jit3A_11, %sign3A_21 : i32
    %sign3A_23 = arith.extui %sign3A_22 : i1 to i32
    %sign3A_24 = arith.subi %sign3A_20, %sign3A_23 : i32
    %ne3A = arith.cmpi ne, %sign3A_17, %sign3A_24 : i32
    %rem3A = arith.remsi %select_n3A_10, %jit3A_11 : i32
    %ne3A_25 = arith.constant 0 : i32
    %ne3A_26 = arith.cmpi ne, %rem3A, %ne3A_25 : i32
    %and3A = arith.andi %ne3A, %ne3A_26 : i1
    %sub3A = arith.constant 1 : i32
    %sub3A_27 = arith.subi %div3A, %sub3A : i32
    %select_n3A_28 = arith.select %and3A, %sub3A_27, %div3A : i32
    "tpu.region"() ({
      %run_scoped3A = tpu.sem_alloc : memref<!tpu.dma_semaphore, #tpu.memory_space<semaphore_mem>>
      %dma_start3A_46 = arith.constant 0 : i32
      %dma_start3A_47 = tpu.memref_slice %arg7[%mul3A_0, %dma_start3A_46] : memref<10112x128xf32, #tpu.memory_space<vmem_shared>> -> memref<632x128xf32, #tpu.memory_space<vmem_shared>>
      tpu.enqueue_dma source(%arg5 : memref<632x128xf32, #tpu.memory_space<hbm>>) target(%dma_start3A_47 : memref<632x128xf32, #tpu.memory_space<vmem_shared>>) target_semaphore(%run_scoped3A : memref<!tpu.dma_semaphore, #tpu.memory_space<semaphore_mem>>)
      %dma_wait3A_48 = arith.constant 0 : i32
      %dma_wait3A_49 = tpu.memref_slice %arg7[%mul3A_0, %dma_wait3A_48] : memref<10112x128xf32, #tpu.memory_space<vmem_shared>> -> memref<632x128xf32, #tpu.memory_space<vmem_shared>>
      tpu.wait_dma2 semaphore(%run_scoped3A : memref<!tpu.dma_semaphore, #tpu.memory_space<semaphore_mem>>) src(%arg5 : memref<632x128xf32, #tpu.memory_space<hbm>>) dst(%dma_wait3A_49 : memref<632x128xf32, #tpu.memory_space<vmem_shared>>)
      tpu.yield
    }) : () -> ()
    %barrier3A = arith.constant 0 : index
    tpu.barrier barrier_id(%barrier3A)
    "tpu.region"() ({
      %run_scoped3A = tpu.sem_alloc : memref<!tpu.dma_semaphore, #tpu.memory_space<semaphore_mem>>
      %dma_start3A_46 = arith.constant 0 : i32
      %dma_start3A_47 = tpu.memref_slice %arg3[%select_n3A, %dma_start3A_46] : memref<2528x128xi32, #tpu.memory_space<hbm>> -> memref<1x128xi32, #tpu.memory_space<hbm>>
      %dma_start3A_48 = tpu.memref_squeeze %dma_start3A_47 : memref<1x128xi32, #tpu.memory_space<hbm>> -> memref<128xi32, #tpu.memory_space<hbm>>
      %dma_start3A_49 = arith.constant 0 : i32
      %dma_start3A_50 = tpu.memref_slice %arg3[%select_n3A, %dma_start3A_49] : memref<2528x128xi32, #tpu.memory_space<hbm>> -> memref<1x128xi32, #tpu.memory_space<hbm>>
      %dma_start3A_51 = tpu.memref_squeeze %dma_start3A_50 : memref<1x128xi32, #tpu.memory_space<hbm>> -> memref<128xi32, #tpu.memory_space<hbm>>
      tpu.enqueue_dma source(%dma_start3A_51 : memref<128xi32, #tpu.memory_space<hbm>>) target(%arg8 : memref<128xi32, #tpu.memory_space<vmem>>) target_semaphore(%run_scoped3A : memref<!tpu.dma_semaphore, #tpu.memory_space<semaphore_mem>>)
      %dma_wait3A_52 = arith.constant 0 : i32
      %dma_wait3A_53 = tpu.memref_slice %arg3[%select_n3A, %dma_wait3A_52] : memref<2528x128xi32, #tpu.memory_space<hbm>> -> memref<1x128xi32, #tpu.memory_space<hbm>>
      %dma_wait3A_54 = tpu.memref_squeeze %dma_wait3A_53 : memref<1x128xi32, #tpu.memory_space<hbm>> -> memref<128xi32, #tpu.memory_space<hbm>>
      %dma_wait3A_55 = arith.constant 0 : i32
      %dma_wait3A_56 = tpu.memref_slice %arg3[%select_n3A, %dma_wait3A_55] : memref<2528x128xi32, #tpu.memory_space<hbm>> -> memref<1x128xi32, #tpu.memory_space<hbm>>
      %dma_wait3A_57 = tpu.memref_squeeze %dma_wait3A_56 : memref<1x128xi32, #tpu.memory_space<hbm>> -> memref<128xi32, #tpu.memory_space<hbm>>
      tpu.wait_dma2 semaphore(%run_scoped3A : memref<!tpu.dma_semaphore, #tpu.memory_space<semaphore_mem>>) src(%dma_wait3A_57 : memref<128xi32, #tpu.memory_space<hbm>>) dst(%arg8 : memref<128xi32, #tpu.memory_space<vmem>>)
      tpu.yield
    }) : () -> ()
    "tpu.region"() ({
      %run_scoped3A = tpu.sem_alloc : memref<!tpu.dma_semaphore, #tpu.memory_space<semaphore_mem>>
      %dma_start3A_46 = arith.constant 0 : i32
      %dma_start3A_47 = tpu.memref_slice %arg4[%select_n3A, %dma_start3A_46] : memref<2528x128xi32, #tpu.memory_space<hbm>> -> memref<1x128xi32, #tpu.memory_space<hbm>>
      %dma_start3A_48 = tpu.memref_squeeze %dma_start3A_47 : memref<1x128xi32, #tpu.memory_space<hbm>> -> memref<128xi32, #tpu.memory_space<hbm>>
      %dma_start3A_49 = arith.constant 0 : i32
      %dma_start3A_50 = tpu.memref_slice %arg4[%select_n3A, %dma_start3A_49] : memref<2528x128xi32, #tpu.memory_space<hbm>> -> memref<1x128xi32, #tpu.memory_space<hbm>>
      %dma_start3A_51 = tpu.memref_squeeze %dma_start3A_50 : memref<1x128xi32, #tpu.memory_space<hbm>> -> memref<128xi32, #tpu.memory_space<hbm>>
      tpu.enqueue_dma source(%dma_start3A_51 : memref<128xi32, #tpu.memory_space<hbm>>) target(%arg9 : memref<128xi32, #tpu.memory_space<vmem>>) target_semaphore(%run_scoped3A : memref<!tpu.dma_semaphore, #tpu.memory_space<semaphore_mem>>)
      %dma_wait3A_52 = arith.constant 0 : i32
      %dma_wait3A_53 = tpu.memref_slice %arg4[%select_n3A, %dma_wait3A_52] : memref<2528x128xi32, #tpu.memory_space<hbm>> -> memref<1x128xi32, #tpu.memory_space<hbm>>
      %dma_wait3A_54 = tpu.memref_squeeze %dma_wait3A_53 : memref<1x128xi32, #tpu.memory_space<hbm>> -> memref<128xi32, #tpu.memory_space<hbm>>
      %dma_wait3A_55 = arith.constant 0 : i32
      %dma_wait3A_56 = tpu.memref_slice %arg4[%select_n3A, %dma_wait3A_55] : memref<2528x128xi32, #tpu.memory_space<hbm>> -> memref<1x128xi32, #tpu.memory_space<hbm>>
      %dma_wait3A_57 = tpu.memref_squeeze %dma_wait3A_56 : memref<1x128xi32, #tpu.memory_space<hbm>> -> memref<128xi32, #tpu.memory_space<hbm>>
      tpu.wait_dma2 semaphore(%run_scoped3A : memref<!tpu.dma_semaphore, #tpu.memory_space<semaphore_mem>>) src(%dma_wait3A_57 : memref<128xi32, #tpu.memory_space<hbm>>) dst(%arg9 : memref<128xi32, #tpu.memory_space<vmem>>)
      tpu.yield
    }) : () -> ()
    %dma_start3A = arith.constant 0 : i32
    %dma_start3A_29 = arith.constant 0 : i32
    %dma_start3A_30 = tpu.memref_slice %arg2[%dma_start3A, %dma_start3A_29] : memref<10000x128xf32, #tpu.memory_space<hbm>> -> memref<10000x128xf32, #tpu.memory_space<hbm>>
    tpu.enqueue_indirect_dma source(%dma_start3A_30 : memref<10000x128xf32, #tpu.memory_space<hbm>>) target(%arg10 : memref<128x128xf32, #tpu.memory_space<vmem>>) offsets(%arg8 : memref<128xi32, #tpu.memory_space<vmem>>) semaphore(%arg14 : memref<!tpu.dma_semaphore, #tpu.memory_space<semaphore_mem>>)
    %while3A = arith.constant 0 : i32
    %while3A_31 = arith.constant 0 : i32
    %while3A_32 = arith.subi %select_n3A_28, %while3A_31 : i32
    %while3A_33 = arith.addi %while3A_31, %while3A_32 : i32
    %while3A_34 = arith.constant 1 : i32
    %while3A_35 = arith.divsi %while3A_32, %while3A_34 : i32
    %while3A_36 = arith.muli %while3A_35, %while3A_34 : i32
    %while3A_37 = arith.addi %while3A_31, %while3A_36 : i32
    %while3A_38 = arith.constant 1 : i32
    scf.for %while3A_46 = %while3A_31 to %while3A_37 step %while3A_38  : i32 {
      %mul3A_47 = arith.constant 2 : i32
      %mul3A_48 = arith.muli %mul3A_47, %while3A_46 : i32
      %add3A_49 = arith.addi %select_n3A, %mul3A_48 : i32
      %add3A_50 = arith.constant 1 : i32
      %add3A_51 = arith.addi %add3A_49, %add3A_50 : i32
      "tpu.region"() ({
        %run_scoped3A = tpu.sem_alloc : memref<!tpu.dma_semaphore, #tpu.memory_space<semaphore_mem>>
        %dma_start3A_77 = arith.constant 0 : i32
        %dma_start3A_78 = tpu.memref_slice %arg3[%add3A_51, %dma_start3A_77] : memref<2528x128xi32, #tpu.memory_space<hbm>> -> memref<1x128xi32, #tpu.memory_space<hbm>>
        %dma_start3A_79 = tpu.memref_squeeze %dma_start3A_78 : memref<1x128xi32, #tpu.memory_space<hbm>> -> memref<128xi32, #tpu.memory_space<hbm>>
        %dma_start3A_80 = arith.constant 0 : i32
        %dma_start3A_81 = tpu.memref_slice %arg3[%add3A_51, %dma_start3A_80] : memref<2528x128xi32, #tpu.memory_space<hbm>> -> memref<1x128xi32, #tpu.memory_space<hbm>>
        %dma_start3A_82 = tpu.memref_squeeze %dma_start3A_81 : memref<1x128xi32, #tpu.memory_space<hbm>> -> memref<128xi32, #tpu.memory_space<hbm>>
        tpu.enqueue_dma source(%dma_start3A_82 : memref<128xi32, #tpu.memory_space<hbm>>) target(%arg11 : memref<128xi32, #tpu.memory_space<vmem>>) target_semaphore(%run_scoped3A : memref<!tpu.dma_semaphore, #tpu.memory_space<semaphore_mem>>)
        %dma_wait3A_83 = arith.constant 0 : i32
        %dma_wait3A_84 = tpu.memref_slice %arg3[%add3A_51, %dma_wait3A_83] : memref<2528x128xi32, #tpu.memory_space<hbm>> -> memref<1x128xi32, #tpu.memory_space<hbm>>
        %dma_wait3A_85 = tpu.memref_squeeze %dma_wait3A_84 : memref<1x128xi32, #tpu.memory_space<hbm>> -> memref<128xi32, #tpu.memory_space<hbm>>
        %dma_wait3A_86 = arith.constant 0 : i32
        %dma_wait3A_87 = tpu.memref_slice %arg3[%add3A_51, %dma_wait3A_86] : memref<2528x128xi32, #tpu.memory_space<hbm>> -> memref<1x128xi32, #tpu.memory_space<hbm>>
        %dma_wait3A_88 = tpu.memref_squeeze %dma_wait3A_87 : memref<1x128xi32, #tpu.memory_space<hbm>> -> memref<128xi32, #tpu.memory_space<hbm>>
        tpu.wait_dma2 semaphore(%run_scoped3A : memref<!tpu.dma_semaphore, #tpu.memory_space<semaphore_mem>>) src(%dma_wait3A_88 : memref<128xi32, #tpu.memory_space<hbm>>) dst(%arg11 : memref<128xi32, #tpu.memory_space<vmem>>)
        tpu.yield
      }) : () -> ()
      "tpu.region"() ({
        %run_scoped3A = tpu.sem_alloc : memref<!tpu.dma_semaphore, #tpu.memory_space<semaphore_mem>>
        %dma_start3A_77 = arith.constant 0 : i32
        %dma_start3A_78 = tpu.memref_slice %arg4[%add3A_51, %dma_start3A_77] : memref<2528x128xi32, #tpu.memory_space<hbm>> -> memref<1x128xi32, #tpu.memory_space<hbm>>
        %dma_start3A_79 = tpu.memref_squeeze %dma_start3A_78 : memref<1x128xi32, #tpu.memory_space<hbm>> -> memref<128xi32, #tpu.memory_space<hbm>>
        %dma_start3A_80 = arith.constant 0 : i32
        %dma_start3A_81 = tpu.memref_slice %arg4[%add3A_51, %dma_start3A_80] : memref<2528x128xi32, #tpu.memory_space<hbm>> -> memref<1x128xi32, #tpu.memory_space<hbm>>
        %dma_start3A_82 = tpu.memref_squeeze %dma_start3A_81 : memref<1x128xi32, #tpu.memory_space<hbm>> -> memref<128xi32, #tpu.memory_space<hbm>>
        tpu.enqueue_dma source(%dma_start3A_82 : memref<128xi32, #tpu.memory_space<hbm>>) target(%arg12 : memref<128xi32, #tpu.memory_space<vmem>>) target_semaphore(%run_scoped3A : memref<!tpu.dma_semaphore, #tpu.memory_space<semaphore_mem>>)
        %dma_wait3A_83 = arith.constant 0 : i32
        %dma_wait3A_84 = tpu.memref_slice %arg4[%add3A_51, %dma_wait3A_83] : memref<2528x128xi32, #tpu.memory_space<hbm>> -> memref<1x128xi32, #tpu.memory_space<hbm>>
        %dma_wait3A_85 = tpu.memref_squeeze %dma_wait3A_84 : memref<1x128xi32, #tpu.memory_space<hbm>> -> memref<128xi32, #tpu.memory_space<hbm>>
        %dma_wait3A_86 = arith.constant 0 : i32
        %dma_wait3A_87 = tpu.memref_slice %arg4[%add3A_51, %dma_wait3A_86] : memref<2528x128xi32, #tpu.memory_space<hbm>> -> memref<1x128xi32, #tpu.memory_space<hbm>>
        %dma_wait3A_88 = tpu.memref_squeeze %dma_wait3A_87 : memref<1x128xi32, #tpu.memory_space<hbm>> -> memref<128xi32, #tpu.memory_space<hbm>>
        tpu.wait_dma2 semaphore(%run_scoped3A : memref<!tpu.dma_semaphore, #tpu.memory_space<semaphore_mem>>) src(%dma_wait3A_88 : memref<128xi32, #tpu.memory_space<hbm>>) dst(%arg12 : memref<128xi32, #tpu.memory_space<vmem>>)
        tpu.yield
      }) : () -> ()
      %dma_start3A_52 = arith.constant 0 : i32
      %dma_start3A_53 = arith.constant 0 : i32
      %dma_start3A_54 = tpu.memref_slice %arg2[%dma_start3A_52, %dma_start3A_53] : memref<10000x128xf32, #tpu.memory_space<hbm>> -> memref<10000x128xf32, #tpu.memory_space<hbm>>
      tpu.enqueue_indirect_dma source(%dma_start3A_54 : memref<10000x128xf32, #tpu.memory_space<hbm>>) target(%arg13 : memref<128x128xf32, #tpu.memory_space<vmem>>) offsets(%arg11 : memref<128xi32, #tpu.memory_space<vmem>>) semaphore(%arg15 : memref<!tpu.dma_semaphore, #tpu.memory_space<semaphore_mem>>)
      %dma_wait3A_55 = arith.constant 0 : i32
      %dma_wait3A_56 = arith.constant 0 : i32
      %dma_wait3A_57 = tpu.memref_slice %arg2[%dma_wait3A_55, %dma_wait3A_56] : memref<10000x128xf32, #tpu.memory_space<hbm>> -> memref<128x128xf32, #tpu.memory_space<hbm>>
      %dma_wait3A_58 = arith.constant 0 : i32
      %dma_wait3A_59 = arith.constant 0 : i32
      %dma_wait3A_60 = tpu.memref_slice %arg2[%dma_wait3A_58, %dma_wait3A_59] : memref<10000x128xf32, #tpu.memory_space<hbm>> -> memref<128x128xf32, #tpu.memory_space<hbm>>
      tpu.wait_dma2 semaphore(%arg14 : memref<!tpu.dma_semaphore, #tpu.memory_space<semaphore_mem>>) src(%dma_wait3A_60 : memref<128x128xf32, #tpu.memory_space<hbm>>) dst(%arg10 : memref<128x128xf32, #tpu.memory_space<vmem>>)
      "tpu.region"() ({
        %run_scoped3A = tpu.sem_alloc : memref<!tpu.dma_semaphore, #tpu.memory_space<semaphore_mem>>
        %dma_start3A_77 = arith.constant 0 : i32
        %dma_start3A_78 = arith.constant 0 : i32
        %dma_start3A_79 = tpu.memref_slice %arg7[%dma_start3A_77, %dma_start3A_78] : memref<10112x128xf32, #tpu.memory_space<vmem_shared>> -> memref<10112x128xf32, #tpu.memory_space<vmem_shared>>
        tpu.enqueue_indirect_dma source(%arg10 : memref<128x128xf32, #tpu.memory_space<vmem>>) target(%dma_start3A_79 : memref<10112x128xf32, #tpu.memory_space<vmem_shared>>) offsets(%arg9 : memref<128xi32, #tpu.memory_space<vmem>>) semaphore(%run_scoped3A : memref<!tpu.dma_semaphore, #tpu.memory_space<semaphore_mem>>) {add = true}
        %dma_wait3A_80 = arith.constant 0 : i32
        %dma_wait3A_81 = arith.constant 0 : i32
        %dma_wait3A_82 = tpu.memref_slice %arg7[%dma_wait3A_80, %dma_wait3A_81] : memref<10112x128xf32, #tpu.memory_space<vmem_shared>> -> memref<10112x128xf32, #tpu.memory_space<vmem_shared>>
        tpu.wait_indirect_dma semaphore(%run_scoped3A : memref<!tpu.dma_semaphore, #tpu.memory_space<semaphore_mem>>) src(%arg10 : memref<128x128xf32, #tpu.memory_space<vmem>>) dst(%dma_wait3A_82 : memref<10112x128xf32, #tpu.memory_space<vmem_shared>>)
        tpu.yield
      }) : () -> ()
      %mul3A_61 = arith.constant 2 : i32
      %mul3A_62 = arith.muli %mul3A_61, %while3A_46 : i32
      %add3A_63 = arith.constant 2 : i32
      %add3A_64 = arith.addi %mul3A_62, %add3A_63 : i32
      %sub3A_65 = arith.constant 2 : i32
      %sub3A_66 = arith.subi %select_n3A_10, %sub3A_65 : i32
      %min3A = arith.minsi %add3A_64, %sub3A_66 : i32
      %add3A_67 = arith.addi %select_n3A, %min3A : i32
      "tpu.region"() ({
        %run_scoped3A = tpu.sem_alloc : memref<!tpu.dma_semaphore, #tpu.memory_space<semaphore_mem>>
        %dma_start3A_77 = arith.constant 0 : i32
        %dma_start3A_78 = tpu.memref_slice %arg3[%add3A_67, %dma_start3A_77] : memref<2528x128xi32, #tpu.memory_space<hbm>> -> memref<1x128xi32, #tpu.memory_space<hbm>>
        %dma_start3A_79 = tpu.memref_squeeze %dma_start3A_78 : memref<1x128xi32, #tpu.memory_space<hbm>> -> memref<128xi32, #tpu.memory_space<hbm>>
        %dma_start3A_80 = arith.constant 0 : i32
        %dma_start3A_81 = tpu.memref_slice %arg3[%add3A_67, %dma_start3A_80] : memref<2528x128xi32, #tpu.memory_space<hbm>> -> memref<1x128xi32, #tpu.memory_space<hbm>>
        %dma_start3A_82 = tpu.memref_squeeze %dma_start3A_81 : memref<1x128xi32, #tpu.memory_space<hbm>> -> memref<128xi32, #tpu.memory_space<hbm>>
        tpu.enqueue_dma source(%dma_start3A_82 : memref<128xi32, #tpu.memory_space<hbm>>) target(%arg8 : memref<128xi32, #tpu.memory_space<vmem>>) target_semaphore(%run_scoped3A : memref<!tpu.dma_semaphore, #tpu.memory_space<semaphore_mem>>)
        %dma_wait3A_83 = arith.constant 0 : i32
        %dma_wait3A_84 = tpu.memref_slice %arg3[%add3A_67, %dma_wait3A_83] : memref<2528x128xi32, #tpu.memory_space<hbm>> -> memref<1x128xi32, #tpu.memory_space<hbm>>
        %dma_wait3A_85 = tpu.memref_squeeze %dma_wait3A_84 : memref<1x128xi32, #tpu.memory_space<hbm>> -> memref<128xi32, #tpu.memory_space<hbm>>
        %dma_wait3A_86 = arith.constant 0 : i32
        %dma_wait3A_87 = tpu.memref_slice %arg3[%add3A_67, %dma_wait3A_86] : memref<2528x128xi32, #tpu.memory_space<hbm>> -> memref<1x128xi32, #tpu.memory_space<hbm>>
        %dma_wait3A_88 = tpu.memref_squeeze %dma_wait3A_87 : memref<1x128xi32, #tpu.memory_space<hbm>> -> memref<128xi32, #tpu.memory_space<hbm>>
        tpu.wait_dma2 semaphore(%run_scoped3A : memref<!tpu.dma_semaphore, #tpu.memory_space<semaphore_mem>>) src(%dma_wait3A_88 : memref<128xi32, #tpu.memory_space<hbm>>) dst(%arg8 : memref<128xi32, #tpu.memory_space<vmem>>)
        tpu.yield
      }) : () -> ()
      "tpu.region"() ({
        %run_scoped3A = tpu.sem_alloc : memref<!tpu.dma_semaphore, #tpu.memory_space<semaphore_mem>>
        %dma_start3A_77 = arith.constant 0 : i32
        %dma_start3A_78 = tpu.memref_slice %arg4[%add3A_67, %dma_start3A_77] : memref<2528x128xi32, #tpu.memory_space<hbm>> -> memref<1x128xi32, #tpu.memory_space<hbm>>
        %dma_start3A_79 = tpu.memref_squeeze %dma_start3A_78 : memref<1x128xi32, #tpu.memory_space<hbm>> -> memref<128xi32, #tpu.memory_space<hbm>>
        %dma_start3A_80 = arith.constant 0 : i32
        %dma_start3A_81 = tpu.memref_slice %arg4[%add3A_67, %dma_start3A_80] : memref<2528x128xi32, #tpu.memory_space<hbm>> -> memref<1x128xi32, #tpu.memory_space<hbm>>
        %dma_start3A_82 = tpu.memref_squeeze %dma_start3A_81 : memref<1x128xi32, #tpu.memory_space<hbm>> -> memref<128xi32, #tpu.memory_space<hbm>>
        tpu.enqueue_dma source(%dma_start3A_82 : memref<128xi32, #tpu.memory_space<hbm>>) target(%arg9 : memref<128xi32, #tpu.memory_space<vmem>>) target_semaphore(%run_scoped3A : memref<!tpu.dma_semaphore, #tpu.memory_space<semaphore_mem>>)
        %dma_wait3A_83 = arith.constant 0 : i32
        %dma_wait3A_84 = tpu.memref_slice %arg4[%add3A_67, %dma_wait3A_83] : memref<2528x128xi32, #tpu.memory_space<hbm>> -> memref<1x128xi32, #tpu.memory_space<hbm>>
        %dma_wait3A_85 = tpu.memref_squeeze %dma_wait3A_84 : memref<1x128xi32, #tpu.memory_space<hbm>> -> memref<128xi32, #tpu.memory_space<hbm>>
        %dma_wait3A_86 = arith.constant 0 : i32
        %dma_wait3A_87 = tpu.memref_slice %arg4[%add3A_67, %dma_wait3A_86] : memref<2528x128xi32, #tpu.memory_space<hbm>> -> memref<1x128xi32, #tpu.memory_space<hbm>>
        %dma_wait3A_88 = tpu.memref_squeeze %dma_wait3A_87 : memref<1x128xi32, #tpu.memory_space<hbm>> -> memref<128xi32, #tpu.memory_space<hbm>>
        tpu.wait_dma2 semaphore(%run_scoped3A : memref<!tpu.dma_semaphore, #tpu.memory_space<semaphore_mem>>) src(%dma_wait3A_88 : memref<128xi32, #tpu.memory_space<hbm>>) dst(%arg9 : memref<128xi32, #tpu.memory_space<vmem>>)
        tpu.yield
      }) : () -> ()
      %dma_start3A_68 = arith.constant 0 : i32
      %dma_start3A_69 = arith.constant 0 : i32
      %dma_start3A_70 = tpu.memref_slice %arg2[%dma_start3A_68, %dma_start3A_69] : memref<10000x128xf32, #tpu.memory_space<hbm>> -> memref<10000x128xf32, #tpu.memory_space<hbm>>
      tpu.enqueue_indirect_dma source(%dma_start3A_70 : memref<10000x128xf32, #tpu.memory_space<hbm>>) target(%arg10 : memref<128x128xf32, #tpu.memory_space<vmem>>) offsets(%arg8 : memref<128xi32, #tpu.memory_space<vmem>>) semaphore(%arg14 : memref<!tpu.dma_semaphore, #tpu.memory_space<semaphore_mem>>)
      %dma_wait3A_71 = arith.constant 0 : i32
      %dma_wait3A_72 = arith.constant 0 : i32
      %dma_wait3A_73 = tpu.memref_slice %arg2[%dma_wait3A_71, %dma_wait3A_72] : memref<10000x128xf32, #tpu.memory_space<hbm>> -> memref<128x128xf32, #tpu.memory_space<hbm>>
      %dma_wait3A_74 = arith.constant 0 : i32
      %dma_wait3A_75 = arith.constant 0 : i32
      %dma_wait3A_76 = tpu.memref_slice %arg2[%dma_wait3A_74, %dma_wait3A_75] : memref<10000x128xf32, #tpu.memory_space<hbm>> -> memref<128x128xf32, #tpu.memory_space<hbm>>
      tpu.wait_dma2 semaphore(%arg15 : memref<!tpu.dma_semaphore, #tpu.memory_space<semaphore_mem>>) src(%dma_wait3A_76 : memref<128x128xf32, #tpu.memory_space<hbm>>) dst(%arg13 : memref<128x128xf32, #tpu.memory_space<vmem>>)
      "tpu.region"() ({
        %run_scoped3A = tpu.sem_alloc : memref<!tpu.dma_semaphore, #tpu.memory_space<semaphore_mem>>
        %dma_start3A_77 = arith.constant 0 : i32
        %dma_start3A_78 = arith.constant 0 : i32
        %dma_start3A_79 = tpu.memref_slice %arg7[%dma_start3A_77, %dma_start3A_78] : memref<10112x128xf32, #tpu.memory_space<vmem_shared>> -> memref<10112x128xf32, #tpu.memory_space<vmem_shared>>
        tpu.enqueue_indirect_dma source(%arg13 : memref<128x128xf32, #tpu.memory_space<vmem>>) target(%dma_start3A_79 : memref<10112x128xf32, #tpu.memory_space<vmem_shared>>) offsets(%arg12 : memref<128xi32, #tpu.memory_space<vmem>>) semaphore(%run_scoped3A : memref<!tpu.dma_semaphore, #tpu.memory_space<semaphore_mem>>) {add = true}
        %dma_wait3A_80 = arith.constant 0 : i32
        %dma_wait3A_81 = arith.constant 0 : i32
        %dma_wait3A_82 = tpu.memref_slice %arg7[%dma_wait3A_80, %dma_wait3A_81] : memref<10112x128xf32, #tpu.memory_space<vmem_shared>> -> memref<10112x128xf32, #tpu.memory_space<vmem_shared>>
        tpu.wait_indirect_dma semaphore(%run_scoped3A : memref<!tpu.dma_semaphore, #tpu.memory_space<semaphore_mem>>) src(%arg13 : memref<128x128xf32, #tpu.memory_space<vmem>>) dst(%dma_wait3A_82 : memref<10112x128xf32, #tpu.memory_space<vmem_shared>>)
        tpu.yield
      }) : () -> ()
    }
    %while3A_39 = arith.constant 1 : i32
    scf.for %while3A_46 = %while3A_37 to %while3A_33 step %while3A_39  : i32 {
      %mul3A_47 = arith.constant 2 : i32
      %mul3A_48 = arith.muli %mul3A_47, %while3A_46 : i32
      %add3A_49 = arith.addi %select_n3A, %mul3A_48 : i32
      %add3A_50 = arith.constant 1 : i32
      %add3A_51 = arith.addi %add3A_49, %add3A_50 : i32
      "tpu.region"() ({
        %run_scoped3A = tpu.sem_alloc : memref<!tpu.dma_semaphore, #tpu.memory_space<semaphore_mem>>
        %dma_start3A_77 = arith.constant 0 : i32
        %dma_start3A_78 = tpu.memref_slice %arg3[%add3A_51, %dma_start3A_77] : memref<2528x128xi32, #tpu.memory_space<hbm>> -> memref<1x128xi32, #tpu.memory_space<hbm>>
        %dma_start3A_79 = tpu.memref_squeeze %dma_start3A_78 : memref<1x128xi32, #tpu.memory_space<hbm>> -> memref<128xi32, #tpu.memory_space<hbm>>
        %dma_start3A_80 = arith.constant 0 : i32
        %dma_start3A_81 = tpu.memref_slice %arg3[%add3A_51, %dma_start3A_80] : memref<2528x128xi32, #tpu.memory_space<hbm>> -> memref<1x128xi32, #tpu.memory_space<hbm>>
        %dma_start3A_82 = tpu.memref_squeeze %dma_start3A_81 : memref<1x128xi32, #tpu.memory_space<hbm>> -> memref<128xi32, #tpu.memory_space<hbm>>
        tpu.enqueue_dma source(%dma_start3A_82 : memref<128xi32, #tpu.memory_space<hbm>>) target(%arg11 : memref<128xi32, #tpu.memory_space<vmem>>) target_semaphore(%run_scoped3A : memref<!tpu.dma_semaphore, #tpu.memory_space<semaphore_mem>>)
        %dma_wait3A_83 = arith.constant 0 : i32
        %dma_wait3A_84 = tpu.memref_slice %arg3[%add3A_51, %dma_wait3A_83] : memref<2528x128xi32, #tpu.memory_space<hbm>> -> memref<1x128xi32, #tpu.memory_space<hbm>>
        %dma_wait3A_85 = tpu.memref_squeeze %dma_wait3A_84 : memref<1x128xi32, #tpu.memory_space<hbm>> -> memref<128xi32, #tpu.memory_space<hbm>>
        %dma_wait3A_86 = arith.constant 0 : i32
        %dma_wait3A_87 = tpu.memref_slice %arg3[%add3A_51, %dma_wait3A_86] : memref<2528x128xi32, #tpu.memory_space<hbm>> -> memref<1x128xi32, #tpu.memory_space<hbm>>
        %dma_wait3A_88 = tpu.memref_squeeze %dma_wait3A_87 : memref<1x128xi32, #tpu.memory_space<hbm>> -> memref<128xi32, #tpu.memory_space<hbm>>
        tpu.wait_dma2 semaphore(%run_scoped3A : memref<!tpu.dma_semaphore, #tpu.memory_space<semaphore_mem>>) src(%dma_wait3A_88 : memref<128xi32, #tpu.memory_space<hbm>>) dst(%arg11 : memref<128xi32, #tpu.memory_space<vmem>>)
        tpu.yield
      }) : () -> ()
      "tpu.region"() ({
        %run_scoped3A = tpu.sem_alloc : memref<!tpu.dma_semaphore, #tpu.memory_space<semaphore_mem>>
        %dma_start3A_77 = arith.constant 0 : i32
        %dma_start3A_78 = tpu.memref_slice %arg4[%add3A_51, %dma_start3A_77] : memref<2528x128xi32, #tpu.memory_space<hbm>> -> memref<1x128xi32, #tpu.memory_space<hbm>>
        %dma_start3A_79 = tpu.memref_squeeze %dma_start3A_78 : memref<1x128xi32, #tpu.memory_space<hbm>> -> memref<128xi32, #tpu.memory_space<hbm>>
        %dma_start3A_80 = arith.constant 0 : i32
        %dma_start3A_81 = tpu.memref_slice %arg4[%add3A_51, %dma_start3A_80] : memref<2528x128xi32, #tpu.memory_space<hbm>> -> memref<1x128xi32, #tpu.memory_space<hbm>>
        %dma_start3A_82 = tpu.memref_squeeze %dma_start3A_81 : memref<1x128xi32, #tpu.memory_space<hbm>> -> memref<128xi32, #tpu.memory_space<hbm>>
        tpu.enqueue_dma source(%dma_start3A_82 : memref<128xi32, #tpu.memory_space<hbm>>) target(%arg12 : memref<128xi32, #tpu.memory_space<vmem>>) target_semaphore(%run_scoped3A : memref<!tpu.dma_semaphore, #tpu.memory_space<semaphore_mem>>)
        %dma_wait3A_83 = arith.constant 0 : i32
        %dma_wait3A_84 = tpu.memref_slice %arg4[%add3A_51, %dma_wait3A_83] : memref<2528x128xi32, #tpu.memory_space<hbm>> -> memref<1x128xi32, #tpu.memory_space<hbm>>
        %dma_wait3A_85 = tpu.memref_squeeze %dma_wait3A_84 : memref<1x128xi32, #tpu.memory_space<hbm>> -> memref<128xi32, #tpu.memory_space<hbm>>
        %dma_wait3A_86 = arith.constant 0 : i32
        %dma_wait3A_87 = tpu.memref_slice %arg4[%add3A_51, %dma_wait3A_86] : memref<2528x128xi32, #tpu.memory_space<hbm>> -> memref<1x128xi32, #tpu.memory_space<hbm>>
        %dma_wait3A_88 = tpu.memref_squeeze %dma_wait3A_87 : memref<1x128xi32, #tpu.memory_space<hbm>> -> memref<128xi32, #tpu.memory_space<hbm>>
        tpu.wait_dma2 semaphore(%run_scoped3A : memref<!tpu.dma_semaphore, #tpu.memory_space<semaphore_mem>>) src(%dma_wait3A_88 : memref<128xi32, #tpu.memory_space<hbm>>) dst(%arg12 : memref<128xi32, #tpu.memory_space<vmem>>)
        tpu.yield
      }) : () -> ()
      %dma_start3A_52 = arith.constant 0 : i32
      %dma_start3A_53 = arith.constant 0 : i32
      %dma_start3A_54 = tpu.memref_slice %arg2[%dma_start3A_52, %dma_start3A_53] : memref<10000x128xf32, #tpu.memory_space<hbm>> -> memref<10000x128xf32, #tpu.memory_space<hbm>>
      tpu.enqueue_indirect_dma source(%dma_start3A_54 : memref<10000x128xf32, #tpu.memory_space<hbm>>) target(%arg13 : memref<128x128xf32, #tpu.memory_space<vmem>>) offsets(%arg11 : memref<128xi32, #tpu.memory_space<vmem>>) semaphore(%arg15 : memref<!tpu.dma_semaphore, #tpu.memory_space<semaphore_mem>>)
      %dma_wait3A_55 = arith.constant 0 : i32
      %dma_wait3A_56 = arith.constant 0 : i32
      %dma_wait3A_57 = tpu.memref_slice %arg2[%dma_wait3A_55, %dma_wait3A_56] : memref<10000x128xf32, #tpu.memory_space<hbm>> -> memref<128x128xf32, #tpu.memory_space<hbm>>
      %dma_wait3A_58 = arith.constant 0 : i32
      %dma_wait3A_59 = arith.constant 0 : i32
      %dma_wait3A_60 = tpu.memref_slice %arg2[%dma_wait3A_58, %dma_wait3A_59] : memref<10000x128xf32, #tpu.memory_space<hbm>> -> memref<128x128xf32, #tpu.memory_space<hbm>>
      tpu.wait_dma2 semaphore(%arg14 : memref<!tpu.dma_semaphore, #tpu.memory_space<semaphore_mem>>) src(%dma_wait3A_60 : memref<128x128xf32, #tpu.memory_space<hbm>>) dst(%arg10 : memref<128x128xf32, #tpu.memory_space<vmem>>)
      "tpu.region"() ({
        %run_scoped3A = tpu.sem_alloc : memref<!tpu.dma_semaphore, #tpu.memory_space<semaphore_mem>>
        %dma_start3A_77 = arith.constant 0 : i32
        %dma_start3A_78 = arith.constant 0 : i32
        %dma_start3A_79 = tpu.memref_slice %arg7[%dma_start3A_77, %dma_start3A_78] : memref<10112x128xf32, #tpu.memory_space<vmem_shared>> -> memref<10112x128xf32, #tpu.memory_space<vmem_shared>>
        tpu.enqueue_indirect_dma source(%arg10 : memref<128x128xf32, #tpu.memory_space<vmem>>) target(%dma_start3A_79 : memref<10112x128xf32, #tpu.memory_space<vmem_shared>>) offsets(%arg9 : memref<128xi32, #tpu.memory_space<vmem>>) semaphore(%run_scoped3A : memref<!tpu.dma_semaphore, #tpu.memory_space<semaphore_mem>>) {add = true}
        %dma_wait3A_80 = arith.constant 0 : i32
        %dma_wait3A_81 = arith.constant 0 : i32
        %dma_wait3A_82 = tpu.memref_slice %arg7[%dma_wait3A_80, %dma_wait3A_81] : memref<10112x128xf32, #tpu.memory_space<vmem_shared>> -> memref<10112x128xf32, #tpu.memory_space<vmem_shared>>
        tpu.wait_indirect_dma semaphore(%run_scoped3A : memref<!tpu.dma_semaphore, #tpu.memory_space<semaphore_mem>>) src(%arg10 : memref<128x128xf32, #tpu.memory_space<vmem>>) dst(%dma_wait3A_82 : memref<10112x128xf32, #tpu.memory_space<vmem_shared>>)
        tpu.yield
      }) : () -> ()
      %mul3A_61 = arith.constant 2 : i32
      %mul3A_62 = arith.muli %mul3A_61, %while3A_46 : i32
      %add3A_63 = arith.constant 2 : i32
      %add3A_64 = arith.addi %mul3A_62, %add3A_63 : i32
      %sub3A_65 = arith.constant 2 : i32
      %sub3A_66 = arith.subi %select_n3A_10, %sub3A_65 : i32
      %min3A = arith.minsi %add3A_64, %sub3A_66 : i32
      %add3A_67 = arith.addi %select_n3A, %min3A : i32
      "tpu.region"() ({
        %run_scoped3A = tpu.sem_alloc : memref<!tpu.dma_semaphore, #tpu.memory_space<semaphore_mem>>
        %dma_start3A_77 = arith.constant 0 : i32
        %dma_start3A_78 = tpu.memref_slice %arg3[%add3A_67, %dma_start3A_77] : memref<2528x128xi32, #tpu.memory_space<hbm>> -> memref<1x128xi32, #tpu.memory_space<hbm>>
        %dma_start3A_79 = tpu.memref_squeeze %dma_start3A_78 : memref<1x128xi32, #tpu.memory_space<hbm>> -> memref<128xi32, #tpu.memory_space<hbm>>
        %dma_start3A_80 = arith.constant 0 : i32
        %dma_start3A_81 = tpu.memref_slice %arg3[%add3A_67, %dma_start3A_80] : memref<2528x128xi32, #tpu.memory_space<hbm>> -> memref<1x128xi32, #tpu.memory_space<hbm>>
        %dma_start3A_82 = tpu.memref_squeeze %dma_start3A_81 : memref<1x128xi32, #tpu.memory_space<hbm>> -> memref<128xi32, #tpu.memory_space<hbm>>
        tpu.enqueue_dma source(%dma_start3A_82 : memref<128xi32, #tpu.memory_space<hbm>>) target(%arg8 : memref<128xi32, #tpu.memory_space<vmem>>) target_semaphore(%run_scoped3A : memref<!tpu.dma_semaphore, #tpu.memory_space<semaphore_mem>>)
        %dma_wait3A_83 = arith.constant 0 : i32
        %dma_wait3A_84 = tpu.memref_slice %arg3[%add3A_67, %dma_wait3A_83] : memref<2528x128xi32, #tpu.memory_space<hbm>> -> memref<1x128xi32, #tpu.memory_space<hbm>>
        %dma_wait3A_85 = tpu.memref_squeeze %dma_wait3A_84 : memref<1x128xi32, #tpu.memory_space<hbm>> -> memref<128xi32, #tpu.memory_space<hbm>>
        %dma_wait3A_86 = arith.constant 0 : i32
        %dma_wait3A_87 = tpu.memref_slice %arg3[%add3A_67, %dma_wait3A_86] : memref<2528x128xi32, #tpu.memory_space<hbm>> -> memref<1x128xi32, #tpu.memory_space<hbm>>
        %dma_wait3A_88 = tpu.memref_squeeze %dma_wait3A_87 : memref<1x128xi32, #tpu.memory_space<hbm>> -> memref<128xi32, #tpu.memory_space<hbm>>
        tpu.wait_dma2 semaphore(%run_scoped3A : memref<!tpu.dma_semaphore, #tpu.memory_space<semaphore_mem>>) src(%dma_wait3A_88 : memref<128xi32, #tpu.memory_space<hbm>>) dst(%arg8 : memref<128xi32, #tpu.memory_space<vmem>>)
        tpu.yield
      }) : () -> ()
      "tpu.region"() ({
        %run_scoped3A = tpu.sem_alloc : memref<!tpu.dma_semaphore, #tpu.memory_space<semaphore_mem>>
        %dma_start3A_77 = arith.constant 0 : i32
        %dma_start3A_78 = tpu.memref_slice %arg4[%add3A_67, %dma_start3A_77] : memref<2528x128xi32, #tpu.memory_space<hbm>> -> memref<1x128xi32, #tpu.memory_space<hbm>>
        %dma_start3A_79 = tpu.memref_squeeze %dma_start3A_78 : memref<1x128xi32, #tpu.memory_space<hbm>> -> memref<128xi32, #tpu.memory_space<hbm>>
        %dma_start3A_80 = arith.constant 0 : i32
        %dma_start3A_81 = tpu.memref_slice %arg4[%add3A_67, %dma_start3A_80] : memref<2528x128xi32, #tpu.memory_space<hbm>> -> memref<1x128xi32, #tpu.memory_space<hbm>>
        %dma_start3A_82 = tpu.memref_squeeze %dma_start3A_81 : memref<1x128xi32, #tpu.memory_space<hbm>> -> memref<128xi32, #tpu.memory_space<hbm>>
        tpu.enqueue_dma source(%dma_start3A_82 : memref<128xi32, #tpu.memory_space<hbm>>) target(%arg9 : memref<128xi32, #tpu.memory_space<vmem>>) target_semaphore(%run_scoped3A : memref<!tpu.dma_semaphore, #tpu.memory_space<semaphore_mem>>)
        %dma_wait3A_83 = arith.constant 0 : i32
        %dma_wait3A_84 = tpu.memref_slice %arg4[%add3A_67, %dma_wait3A_83] : memref<2528x128xi32, #tpu.memory_space<hbm>> -> memref<1x128xi32, #tpu.memory_space<hbm>>
        %dma_wait3A_85 = tpu.memref_squeeze %dma_wait3A_84 : memref<1x128xi32, #tpu.memory_space<hbm>> -> memref<128xi32, #tpu.memory_space<hbm>>
        %dma_wait3A_86 = arith.constant 0 : i32
        %dma_wait3A_87 = tpu.memref_slice %arg4[%add3A_67, %dma_wait3A_86] : memref<2528x128xi32, #tpu.memory_space<hbm>> -> memref<1x128xi32, #tpu.memory_space<hbm>>
        %dma_wait3A_88 = tpu.memref_squeeze %dma_wait3A_87 : memref<1x128xi32, #tpu.memory_space<hbm>> -> memref<128xi32, #tpu.memory_space<hbm>>
        tpu.wait_dma2 semaphore(%run_scoped3A : memref<!tpu.dma_semaphore, #tpu.memory_space<semaphore_mem>>) src(%dma_wait3A_88 : memref<128xi32, #tpu.memory_space<hbm>>) dst(%arg9 : memref<128xi32, #tpu.memory_space<vmem>>)
        tpu.yield
      }) : () -> ()
      %dma_start3A_68 = arith.constant 0 : i32
      %dma_start3A_69 = arith.constant 0 : i32
      %dma_start3A_70 = tpu.memref_slice %arg2[%dma_start3A_68, %dma_start3A_69] : memref<10000x128xf32, #tpu.memory_space<hbm>> -> memref<10000x128xf32, #tpu.memory_space<hbm>>
      tpu.enqueue_indirect_dma source(%dma_start3A_70 : memref<10000x128xf32, #tpu.memory_space<hbm>>) target(%arg10 : memref<128x128xf32, #tpu.memory_space<vmem>>) offsets(%arg8 : memref<128xi32, #tpu.memory_space<vmem>>) semaphore(%arg14 : memref<!tpu.dma_semaphore, #tpu.memory_space<semaphore_mem>>)
      %dma_wait3A_71 = arith.constant 0 : i32
      %dma_wait3A_72 = arith.constant 0 : i32
      %dma_wait3A_73 = tpu.memref_slice %arg2[%dma_wait3A_71, %dma_wait3A_72] : memref<10000x128xf32, #tpu.memory_space<hbm>> -> memref<128x128xf32, #tpu.memory_space<hbm>>
      %dma_wait3A_74 = arith.constant 0 : i32
      %dma_wait3A_75 = arith.constant 0 : i32
      %dma_wait3A_76 = tpu.memref_slice %arg2[%dma_wait3A_74, %dma_wait3A_75] : memref<10000x128xf32, #tpu.memory_space<hbm>> -> memref<128x128xf32, #tpu.memory_space<hbm>>
      tpu.wait_dma2 semaphore(%arg15 : memref<!tpu.dma_semaphore, #tpu.memory_space<semaphore_mem>>) src(%dma_wait3A_76 : memref<128x128xf32, #tpu.memory_space<hbm>>) dst(%arg13 : memref<128x128xf32, #tpu.memory_space<vmem>>)
      "tpu.region"() ({
        %run_scoped3A = tpu.sem_alloc : memref<!tpu.dma_semaphore, #tpu.memory_space<semaphore_mem>>
        %dma_start3A_77 = arith.constant 0 : i32
        %dma_start3A_78 = arith.constant 0 : i32
        %dma_start3A_79 = tpu.memref_slice %arg7[%dma_start3A_77, %dma_start3A_78] : memref<10112x128xf32, #tpu.memory_space<vmem_shared>> -> memref<10112x128xf32, #tpu.memory_space<vmem_shared>>
        tpu.enqueue_indirect_dma source(%arg13 : memref<128x128xf32, #tpu.memory_space<vmem>>) target(%dma_start3A_79 : memref<10112x128xf32, #tpu.memory_space<vmem_shared>>) offsets(%arg12 : memref<128xi32, #tpu.memory_space<vmem>>) semaphore(%run_scoped3A : memref<!tpu.dma_semaphore, #tpu.memory_space<semaphore_mem>>) {add = true}
        %dma_wait3A_80 = arith.constant 0 : i32
        %dma_wait3A_81 = arith.constant 0 : i32
        %dma_wait3A_82 = tpu.memref_slice %arg7[%dma_wait3A_80, %dma_wait3A_81] : memref<10112x128xf32, #tpu.memory_space<vmem_shared>> -> memref<10112x128xf32, #tpu.memory_space<vmem_shared>>
        tpu.wait_indirect_dma semaphore(%run_scoped3A : memref<!tpu.dma_semaphore, #tpu.memory_space<semaphore_mem>>) src(%arg13 : memref<128x128xf32, #tpu.memory_space<vmem>>) dst(%dma_wait3A_82 : memref<10112x128xf32, #tpu.memory_space<vmem_shared>>)
        tpu.yield
      }) : () -> ()
    }
    %dma_wait3A = arith.constant 0 : i32
    %dma_wait3A_40 = arith.constant 0 : i32
    %dma_wait3A_41 = tpu.memref_slice %arg2[%dma_wait3A, %dma_wait3A_40] : memref<10000x128xf32, #tpu.memory_space<hbm>> -> memref<128x128xf32, #tpu.memory_space<hbm>>
    %dma_wait3A_42 = arith.constant 0 : i32
    %dma_wait3A_43 = arith.constant 0 : i32
    %dma_wait3A_44 = tpu.memref_slice %arg2[%dma_wait3A_42, %dma_wait3A_43] : memref<10000x128xf32, #tpu.memory_space<hbm>> -> memref<128x128xf32, #tpu.memory_space<hbm>>
    tpu.wait_dma2 semaphore(%arg14 : memref<!tpu.dma_semaphore, #tpu.memory_space<semaphore_mem>>) src(%dma_wait3A_44 : memref<128x128xf32, #tpu.memory_space<hbm>>) dst(%arg10 : memref<128x128xf32, #tpu.memory_space<vmem>>)
    %barrier3A_45 = arith.constant 0 : index
    tpu.barrier barrier_id(%barrier3A_45)
    "tpu.region"() ({
      %run_scoped3A = tpu.sem_alloc : memref<!tpu.dma_semaphore, #tpu.memory_space<semaphore_mem>>
      %dma_start3A_46 = arith.constant 0 : i32
      %dma_start3A_47 = tpu.memref_slice %arg6[%arg0, %mul3A_0, %dma_start3A_46] : memref<2x10112x128xf32, #tpu.memory_space<hbm>> -> memref<1x632x128xf32, #tpu.memory_space<hbm>>
      %dma_start3A_48 = tpu.memref_squeeze %dma_start3A_47 : memref<1x632x128xf32, #tpu.memory_space<hbm>> -> memref<632x128xf32, #tpu.memory_space<hbm>>
      %dma_start3A_49 = arith.constant 0 : i32
      %dma_start3A_50 = tpu.memref_slice %arg7[%mul3A_0, %dma_start3A_49] : memref<10112x128xf32, #tpu.memory_space<vmem_shared>> -> memref<632x128xf32, #tpu.memory_space<vmem_shared>>
      tpu.enqueue_dma source(%dma_start3A_50 : memref<632x128xf32, #tpu.memory_space<vmem_shared>>) target(%dma_start3A_48 : memref<632x128xf32, #tpu.memory_space<hbm>>) target_semaphore(%run_scoped3A : memref<!tpu.dma_semaphore, #tpu.memory_space<semaphore_mem>>)
      %dma_wait3A_51 = arith.constant 0 : i32
      %dma_wait3A_52 = tpu.memref_slice %arg6[%arg0, %mul3A_0, %dma_wait3A_51] : memref<2x10112x128xf32, #tpu.memory_space<hbm>> -> memref<1x632x128xf32, #tpu.memory_space<hbm>>
      %dma_wait3A_53 = tpu.memref_squeeze %dma_wait3A_52 : memref<1x632x128xf32, #tpu.memory_space<hbm>> -> memref<632x128xf32, #tpu.memory_space<hbm>>
      %dma_wait3A_54 = arith.constant 0 : i32
      %dma_wait3A_55 = tpu.memref_slice %arg7[%mul3A_0, %dma_wait3A_54] : memref<10112x128xf32, #tpu.memory_space<vmem_shared>> -> memref<632x128xf32, #tpu.memory_space<vmem_shared>>
      tpu.wait_dma2 semaphore(%run_scoped3A : memref<!tpu.dma_semaphore, #tpu.memory_space<semaphore_mem>>) src(%dma_wait3A_55 : memref<632x128xf32, #tpu.memory_space<vmem_shared>>) dst(%dma_wait3A_53 : memref<632x128xf32, #tpu.memory_space<hbm>>)
      tpu.yield
    }) : () -> ()
    return
  }
}

module attributes {stable_mosaic.version = 14 : i64} {
  func.func @_stage_mid_body(%arg0: memref<2x10112x128xf32, #tpu.memory_space<vmem>>, %arg1: memref<2x10112x16xf32, #tpu.memory_space<vmem>>, %arg2: memref<1x128xf32, #tpu.memory_space<vmem>>, %arg3: memref<128x128xf32, #tpu.memory_space<vmem>>, %arg4: memref<10000x128xf32, #tpu.memory_space<vmem>>) attributes {dimension_semantics = [], scalar_prefetch = 0 : i64, scratch_operands = 0 : i64, tpu.core_type = #tpu.core_type<tc>} {
    %get3A = arith.constant 0 : index
    %get3A_0 = arith.constant 0 : index
    %get3A_1 = arith.constant 0 : index
    %get3A_2 = vector.load %arg0[%get3A, %get3A_0, %get3A_1] : memref<2x10112x128xf32, #tpu.memory_space<vmem>>, vector<1x10000x128xf32>
    %get3A_3 = vector.shape_cast %get3A_2 : vector<1x10000x128xf32> to vector<10000x128xf32>
    %get3A_4 = arith.constant 1 : index
    %get3A_5 = arith.constant 0 : index
    %get3A_6 = arith.constant 0 : index
    %get3A_7 = vector.load %arg0[%get3A_4, %get3A_5, %get3A_6] : memref<2x10112x128xf32, #tpu.memory_space<vmem>>, vector<1x10000x128xf32>
    %get3A_8 = vector.shape_cast %get3A_7 : vector<1x10000x128xf32> to vector<10000x128xf32>
    %add3A = arith.addf %get3A_3, %get3A_8 : vector<10000x128xf32>
    %get3A_9 = arith.constant 0 : index
    %get3A_10 = arith.constant 0 : index
    %get3A_11 = arith.constant 0 : index
    %get3A_12 = vector.load %arg1[%get3A_9, %get3A_10, %get3A_11] : memref<2x10112x16xf32, #tpu.memory_space<vmem>>, vector<1x10000x1xf32>
    %get3A_13 = vector.shape_cast %get3A_12 : vector<1x10000x1xf32> to vector<10000x1xf32>
    %get3A_14 = arith.constant 1 : index
    %get3A_15 = arith.constant 0 : index
    %get3A_16 = arith.constant 0 : index
    %get3A_17 = vector.load %arg1[%get3A_14, %get3A_15, %get3A_16] : memref<2x10112x16xf32, #tpu.memory_space<vmem>>, vector<1x10000x1xf32>
    %get3A_18 = vector.shape_cast %get3A_17 : vector<1x10000x1xf32> to vector<10000x1xf32>
    %add3A_19 = arith.addf %get3A_13, %get3A_18 : vector<10000x1xf32>
    %max3A = arith.constant 1.000000e+00 : f32
    %max3A_20 = vector.broadcast %max3A : f32 to vector<10000x1xf32>
    %max3A_21 = arith.maximumf %add3A_19, %max3A_20 : vector<10000x1xf32>
    %div3A = arith.constant 1.000000e+00 : f32
    %div3A_22 = vector.broadcast %div3A : f32 to vector<10000x1xf32>
    %div3A_23 = arith.divf %div3A_22, %max3A_21 : vector<10000x1xf32>
    %mul3A = vector.broadcast %div3A_23 : vector<10000x1xf32> to vector<10000x128xf32>
    %mul3A_24 = arith.mulf %add3A, %mul3A : vector<10000x128xf32>
    %get3A_25 = arith.constant 0 : index
    %get3A_26 = arith.constant 0 : index
    %get3A_27 = vector.load %arg3[%get3A_25, %get3A_26] : memref<128x128xf32, #tpu.memory_space<vmem>>, vector<128x128xf32>
    %dot_general3A = arith.constant dense<0.000000e+00> : vector<10000x128xf32>
    %dot_general3A_28 = tpu.matmul %mul3A_24, %get3A_27, %dot_general3A {dimension_numbers = #tpu.dot_dimension_numbers<[1], [0], [0], [1], [0, 0, 1, 1], [], []>, transpose_lhs_hint = false} : vector<10000x128xf32>, vector<128x128xf32>, vector<10000x128xf32> -> vector<10000x128xf32>
    %get3A_29 = arith.constant 0 : index
    %get3A_30 = arith.constant 0 : index
    %get3A_31 = vector.load %arg2[%get3A_29, %get3A_30] : memref<1x128xf32, #tpu.memory_space<vmem>>, vector<1x128xf32>
    %add3A_32 = vector.broadcast %get3A_31 : vector<1x128xf32> to vector<10000x128xf32>
    %add3A_33 = arith.addf %dot_general3A_28, %add3A_32 : vector<10000x128xf32>
    %max3A_34 = arith.constant 0.000000e+00 : f32
    %max3A_35 = vector.broadcast %max3A_34 : f32 to vector<10000x128xf32>
    %max3A_36 = arith.maximumf %add3A_33, %max3A_35 : vector<10000x128xf32>
    %swap3A = arith.constant 0 : index
    %swap3A_37 = arith.constant 0 : index
    %swap3A_38 = vector.load %arg4[%swap3A, %swap3A_37] : memref<10000x128xf32, #tpu.memory_space<vmem>>, vector<10000x128xf32>
    tpu.vector_store %arg4[%swap3A, %swap3A_37], %max3A_36 {strides = array<i32>} : memref<10000x128xf32, #tpu.memory_space<vmem>>, vector<10000x128xf32>,
    return
  }
}

module attributes {stable_mosaic.version = 14 : i64} {
  func.func @_stage_out_body(%arg0: memref<2x10112x128xf32, #tpu.memory_space<vmem>>, %arg1: memref<2x10112x16xf32, #tpu.memory_space<vmem>>, %arg2: memref<128x128xf32, #tpu.memory_space<vmem>>, %arg3: memref<1x128xf32, #tpu.memory_space<vmem>>, %arg4: memref<1x100xf32, #tpu.memory_space<vmem>>, %arg5: memref<100x1xf32, #tpu.memory_space<vmem>>, %arg6: memref<128x1xf32, #tpu.memory_space<vmem>>, %arg7: memref<1x1xf32, #tpu.memory_space<vmem>>, %arg8: memref<100x1xf32, #tpu.memory_space<vmem>>) attributes {dimension_semantics = [], scalar_prefetch = 0 : i64, scratch_operands = 0 : i64, tpu.core_type = #tpu.core_type<tc>} {
    %get3A = arith.constant 0 : index
    %get3A_0 = arith.constant 0 : index
    %get3A_1 = arith.constant 0 : index
    %get3A_2 = vector.load %arg0[%get3A, %get3A_0, %get3A_1] : memref<2x10112x128xf32, #tpu.memory_space<vmem>>, vector<1x10000x128xf32>
    %get3A_3 = vector.shape_cast %get3A_2 : vector<1x10000x128xf32> to vector<10000x128xf32>
    %get3A_4 = arith.constant 1 : index
    %get3A_5 = arith.constant 0 : index
    %get3A_6 = arith.constant 0 : index
    %get3A_7 = vector.load %arg0[%get3A_4, %get3A_5, %get3A_6] : memref<2x10112x128xf32, #tpu.memory_space<vmem>>, vector<1x10000x128xf32>
    %get3A_8 = vector.shape_cast %get3A_7 : vector<1x10000x128xf32> to vector<10000x128xf32>
    %add3A = arith.addf %get3A_3, %get3A_8 : vector<10000x128xf32>
    %get3A_9 = arith.constant 0 : index
    %get3A_10 = arith.constant 0 : index
    %get3A_11 = arith.constant 0 : index
    %get3A_12 = vector.load %arg1[%get3A_9, %get3A_10, %get3A_11] : memref<2x10112x16xf32, #tpu.memory_space<vmem>>, vector<1x10000x1xf32>
    %get3A_13 = vector.shape_cast %get3A_12 : vector<1x10000x1xf32> to vector<10000x1xf32>
    %get3A_14 = arith.constant 1 : index
    %get3A_15 = arith.constant 0 : index
    %get3A_16 = arith.constant 0 : index
    %get3A_17 = vector.load %arg1[%get3A_14, %get3A_15, %get3A_16] : memref<2x10112x16xf32, #tpu.memory_space<vmem>>, vector<1x10000x1xf32>
    %get3A_18 = vector.shape_cast %get3A_17 : vector<1x10000x1xf32> to vector<10000x1xf32>
    %add3A_19 = arith.addf %get3A_13, %get3A_18 : vector<10000x1xf32>
    %max3A = arith.constant 1.000000e+00 : f32
    %max3A_20 = vector.broadcast %max3A : f32 to vector<10000x1xf32>
    %max3A_21 = arith.maximumf %add3A_19, %max3A_20 : vector<10000x1xf32>
    %div3A = arith.constant 1.000000e+00 : f32
    %div3A_22 = vector.broadcast %div3A : f32 to vector<10000x1xf32>
    %div3A_23 = arith.divf %div3A_22, %max3A_21 : vector<10000x1xf32>
    %mul3A = vector.broadcast %div3A_23 : vector<10000x1xf32> to vector<10000x128xf32>
    %mul3A_24 = arith.mulf %add3A, %mul3A : vector<10000x128xf32>
    %get3A_25 = arith.constant 0 : index
    %get3A_26 = arith.constant 0 : index
    %get3A_27 = vector.load %arg2[%get3A_25, %get3A_26] : memref<128x128xf32, #tpu.memory_space<vmem>>, vector<128x128xf32>
    %dot_general3A = arith.constant dense<0.000000e+00> : vector<10000x128xf32>
    %dot_general3A_28 = tpu.matmul %mul3A_24, %get3A_27, %dot_general3A {dimension_numbers = #tpu.dot_dimension_numbers<[1], [0], [0], [1], [0, 0, 1, 1], [], []>, transpose_lhs_hint = false} : vector<10000x128xf32>, vector<128x128xf32>, vector<10000x128xf32> -> vector<10000x128xf32>
    %get3A_29 = arith.constant 0 : index
    %get3A_30 = arith.constant 0 : index
    %get3A_31 = vector.load %arg3[%get3A_29, %get3A_30] : memref<1x128xf32, #tpu.memory_space<vmem>>, vector<1x128xf32>
    %add3A_32 = vector.broadcast %get3A_31 : vector<1x128xf32> to vector<10000x128xf32>
    %add3A_33 = arith.addf %dot_general3A_28, %add3A_32 : vector<10000x128xf32>
    %max3A_34 = arith.constant 0.000000e+00 : f32
    %max3A_35 = vector.broadcast %max3A_34 : f32 to vector<10000x128xf32>
    %max3A_36 = arith.maximumf %add3A_33, %max3A_35 : vector<10000x128xf32>
    %get3A_37 = arith.constant 0 : index
    %get3A_38 = arith.constant 0 : index
    %get3A_39 = vector.load %arg4[%get3A_37, %get3A_38] : memref<1x100xf32, #tpu.memory_space<vmem>>, vector<1x100xf32>
    %iota3A = tpu.iota {dimensions = array<i32: 0>} : vector<100x100xi32>
    %iota3A_40 = tpu.iota {dimensions = array<i32: 1>} : vector<100x100xi32>
    %le3A = arith.cmpi sle, %iota3A, %iota3A_40 : vector<100x100xi32>
    %convert_element_type3A = arith.extui %le3A : vector<100x100xi1> to vector<100x100xi32>
    %convert_element_type3A_41 = arith.sitofp %convert_element_type3A : vector<100x100xi32> to vector<100x100xf32>
    %dot_general3A_42 = arith.constant dense<0.000000e+00> : vector<1x100xf32>
    %dot_general3A_43 = tpu.matmul %get3A_39, %convert_element_type3A_41, %dot_general3A_42 {dimension_numbers = #tpu.dot_dimension_numbers<[1], [0], [0], [1], [0, 0, 1, 1], [], []>, transpose_lhs_hint = false} : vector<1x100xf32>, vector<100x100xf32>, vector<1x100xf32> -> vector<1x100xf32>
    %sub3A = arith.subf %dot_general3A_43, %get3A_39 : vector<1x100xf32>
    %iota3A_44 = tpu.iota {dimensions = array<i32: 1>} : vector<1x100xi32>
    %eq3A = arith.constant 99 : i32
    %eq3A_45 = vector.broadcast %eq3A : i32 to vector<1x100xi32>
    %eq3A_46 = arith.cmpi eq, %iota3A_44, %eq3A_45 : vector<1x100xi32>
    %jit3A = arith.constant 1.07374182E+9 : f32
    %broadcast_in_dim3A = vector.broadcast %jit3A : f32 to vector<1x100xf32>
    %select_n3A = arith.select %eq3A_46, %broadcast_in_dim3A, %dot_general3A_43 : vector<1x100xi1>, vector<1x100xf32>
    %iota3A_47 = tpu.iota {dimensions = array<i32: 0>} : vector<10000x100xi32>
    %convert_element_type3A_48 = arith.sitofp %iota3A_47 : vector<10000x100xi32> to vector<10000x100xf32>
    %ge3A = vector.broadcast %sub3A : vector<1x100xf32> to vector<10000x100xf32>
    %ge3A_49 = arith.cmpf oge, %convert_element_type3A_48, %ge3A : vector<10000x100xf32>
    %lt3A = vector.broadcast %select_n3A : vector<1x100xf32> to vector<10000x100xf32>
    %lt3A_50 = arith.cmpf olt, %convert_element_type3A_48, %lt3A : vector<10000x100xf32>
    %and3A = arith.andi %ge3A_49, %lt3A_50 : vector<10000x100xi1>
    %convert_element_type3A_51 = arith.extui %and3A : vector<10000x100xi1> to vector<10000x100xi32>
    %convert_element_type3A_52 = arith.sitofp %convert_element_type3A_51 : vector<10000x100xi32> to vector<10000x100xf32>
    %dot_general3A_53 = arith.constant dense<0.000000e+00> : vector<100x128xf32>
    %dot_general3A_54 = tpu.matmul %convert_element_type3A_52, %max3A_36, %dot_general3A_53 {dimension_numbers = #tpu.dot_dimension_numbers<[0], [0], [1], [1], [0, 1, 1, 1], [], []>, transpose_lhs_hint = false} : vector<10000x100xf32>, vector<10000x128xf32>, vector<100x128xf32> -> vector<100x128xf32>
    %get3A_55 = arith.constant 0 : index
    %get3A_56 = arith.constant 0 : index
    %get3A_57 = vector.load %arg5[%get3A_55, %get3A_56] : memref<100x1xf32, #tpu.memory_space<vmem>>, vector<100x1xf32>
    %max3A_58 = arith.constant 1.000000e+00 : f32
    %max3A_59 = vector.broadcast %max3A_58 : f32 to vector<100x1xf32>
    %max3A_60 = arith.maximumf %get3A_57, %max3A_59 : vector<100x1xf32>
    %div3A_61 = vector.broadcast %max3A_60 : vector<100x1xf32> to vector<100x128xf32>
    %div3A_62 = arith.divf %dot_general3A_54, %div3A_61 : vector<100x128xf32>
    %get3A_63 = arith.constant 0 : index
    %get3A_64 = arith.constant 0 : index
    %get3A_65 = vector.load %arg6[%get3A_63, %get3A_64] : memref<128x1xf32, #tpu.memory_space<vmem>>, vector<128x1xf32>
    %dot_general3A_66 = arith.constant dense<0.000000e+00> : vector<100x1xf32>
    %dot_general3A_67 = tpu.matmul %div3A_62, %get3A_65, %dot_general3A_66 {dimension_numbers = #tpu.dot_dimension_numbers<[1], [0], [0], [1], [0, 0, 1, 1], [], []>, transpose_lhs_hint = false} : vector<100x128xf32>, vector<128x1xf32>, vector<100x1xf32> -> vector<100x1xf32>
    %get3A_68 = arith.constant 0 : index
    %get3A_69 = arith.constant 0 : index
    %get3A_70 = vector.load %arg7[%get3A_68, %get3A_69] : memref<1x1xf32, #tpu.memory_space<vmem>>, vector<1x1xf32>
    %add3A_71 = vector.broadcast %get3A_70 : vector<1x1xf32> to vector<100x1xf32>
    %add3A_72 = arith.addf %dot_general3A_67, %add3A_71 : vector<100x1xf32>
    %swap3A = arith.constant 0 : index
    %swap3A_73 = arith.constant 0 : index
    %swap3A_74 = vector.load %arg8[%swap3A, %swap3A_73] : memref<100x1xf32, #tpu.memory_space<vmem>>, vector<100x1xf32>
    tpu.vector_store %arg8[%swap3A, %swap3A_73], %add3A_72 {strides = array<i32>} : memref<100x1xf32, #tpu.memory_space<vmem>>, vector<100x1xf32>,
    return
  }
}

</mosaic_0001>

<sc_bundles>
// kernel: kernel.10.cloned.1.call-start
scs
__scs_entry_jumppad:
0x0: {  	(pc) =	sbr.rel $0x88, $3  }
0x1: {  	(tag) =	ssettag $0x0;
	lr =	simm.s32 $0x1  }
0x2: {  	[smem:$0x3F97] =	sst lr;
	_ =	strace $0xD0000000  }
0x3: {  	_ = 	snop  }
0x4: {  	_ = 	snop  }
0x5: {  	_ = 	snop  }
0x6: {  	_ = 	snop  }
0x7: {  	_ = 	snop  }
__scs_overlays_trampoline_lowered:
0x8: {  	[smem:$0x3FA6] =	sst s0  }
0x9: {  	[smem:$0x3FA7] =	sst s1  }
0xa: {  	[smem:$0x3FA8] =	sst s2  }
0xb: {  	[smem:$0x3FA9] =	sst s3  }
0xc: {  	[smem:$0x3FAA] =	sst s4  }
0xd: {  	[smem:$0x3FAB] =	sst s5  }
0xe: {  	[smem:$0x3FAC] =	sst s6  }
0xf: {  	[smem:$0x3FAD] =	sst s7  }
0x10: {  	[smem:$0x3FAE] =	sst s8  }
0x11: {  	[smem:$0x3FAF] =	sst s9;
	s0 =	simm.s32 @!p0 $0x0  }
0x12: {  	s1 =	sld [smem:$0x3F95];
	s0 =	simm.s32 @p0 $0x1  }
0x13: {  	[smem:$0x3FB0] =	sst s0;
	s0 =	simm.s32 @!p1 $0x0  }
0x14: {  	s2 =	sld [smem:$0x3F94];
	s0 =	simm.s32 @p1 $0x1  }
0x15: {  	[smem:$0x3FB1] =	sst s0;
	s0 =	simm.s32 @!p2 $0x0  }
0x16: {  	s3 =	sld [smem:$0x3FDB];
	s0 =	simm.s32 @p2 $0x1  }
0x17: {  	s4 =	simm.s32 $0x1BF5;
	[smem:$0x3FB3] =	sst s0  }
0x18: {  	s0 =	sld [smem:$0x3F96];
	_ =	swait.ge [sflag:s4], $0x0  }
0x19: {  	s7 =	sld [smem:$0x3F97]  }
0x1a: {  	s8 =	sadd.s32 $0xFFFFE003, lr  }
0x1b: {  	s9 =	sadd.s32 $0xFFFFFEF7, lr;
	s5 =	simm.s32 $0xFFFFFFFF;
	p2 =	slt.u32 s8, $0xFFFFF086  }
0x1c: {  	p1 =	slt.u32 s9, $0xF7A;
	s5 =	simm.s32 @!p2 $0x0  }
0x1d: {  	s5 =	simm.s32 @p1 $0x1;
	p0 =	seq.s32 s7, s2  }
0x1e: {  	s7 =	smul.u32 @!p0 $0xF7A, s2;
	p2 =	seq.s32 @!p0 s5, $0x0  }
0x1f: {  	s9 =	smul.u32 $0xF7A, s1;
	s8 =	simm.s32 @!p0 $0x1BF5;
	p2 =	por !p2, p0  }
0x20: {  	[sflag:s8] =	ssyncset.s32 @!p0 $0xFFFFF086;
	s6 =	sadd.s32 @!p0 s3, s7;
	s7 =	simm.s32 @!p0 $0x108  }
0x21: {  	s3 =	sadd.s32 s3, s9;
	s6 =	sadd.s32 @!p0 $0x88, s6;
	s7 =	simm.s32 @p2 $0x1082  }
0x22: {  	[simem:s7], [sflag:s8] =	dma.local @!p0 [hbm:s6], $0xF7A  }
0x23: {  	s9 =	sor.u32 $0xD0000000, s2;
	s6 =	simm.s32 $0x108;
	_ =	swait.ge @!p0 [sflag:s8], $0x0  }
0x24: {  	s3 =	sadd.s32 $0x88, s3;
	s6 =	simm.s32 @!p1 $0x1082;
	[sflag:s4] =	ssyncset.s32 $0xFFFFF086  }
0x25: {  	[simem:s6], [sflag:s4] =	dma.local [hbm:s3], $0xF7A  }
0x26: {  	[smem:$0x3F97] =	sst s1;
	(tag) =	ssettag s2;
	_ =	strace s9  }
0x27: {  	s1 =	sld [smem:$0x3FA7]  }
0x28: {  	s2 =	sld [smem:$0x3FA8]  }
0x29: {  	s4 =	sld [smem:$0x3FAA]  }
0x2a: {  	p0 =	seq.s32 s5, $0x0;
	s5 =	sld [smem:$0x3FAB]  }
0x2b: {  	s6 =	sld [smem:$0x3FAC]  }
0x2c: {  	s7 =	sld [smem:$0x3FAD]  }
0x2d: {  	s3 =	simm.s32 $0x108;
	s8 =	sld [smem:$0x3FAE]  }
0x2e: {  	s3 =	simm.s32 @!p0 $0x1082;
	s9 =	sld [smem:$0x3FAF]  }
0x2f: {  	lr =	sadd.s32 s0, s3;
	s0 =	sld [smem:$0x3FA6]  }
0x30: {  	s3 =	sld [smem:$0x3FA9]  }
0x31: {  	[smem:$0x3FB2] =	sst s10  }
0x32: {  	s10 =	sld [smem:$0x3FB0];
	_ =	sdelay $0x3  }
0x33: {  	p0 =	seq.s32 s10, $0x1;
	s10 =	sld [smem:$0x3FB2];
	_ =	sdelay $0x3  }
0x34: {  	[smem:$0x3FB2] =	sst s10  }
0x35: {  	s10 =	sld [smem:$0x3FB1];
	_ =	sdelay $0x3  }
0x36: {  	p1 =	seq.s32 s10, $0x1;
	s10 =	sld [smem:$0x3FB2];
	_ =	sdelay $0x3  }
0x37: {  	[smem:$0x3FB2] =	sst s10  }
0x38: {  	s10 =	sld [smem:$0x3FB3]  }
0x39: {  	_ = 	snop;
	(pc) =	sbr.ind lr, $3  }
0x3a: {  	_ = 	snop  }
0x3b: {  	_ = 	snop  }
0x3c: {  	p2 =	seq.s32 s10, $0x1;
	s10 =	sld [smem:$0x3FB2]  }
0x3d: {  	_ =	shalt  }
0x3e: {  	_ =	shalt  }
0x3f: {  	_ =	shalt  }
0x40: {  	_ =	shalt  }
0x41: {  	_ =	shalt  }
0x42: {  	_ =	shalt  }
0x43: {  	_ =	shalt  }
0x44: {  	_ =	shalt  }
0x45: {  	_ =	shalt  }
0x46: {  	_ =	shalt  }
0x47: {  	_ =	shalt  }
0x48: {  	_ =	shalt  }
0x49: {  	_ =	shalt  }
0x4a: {  	_ =	shalt  }
0x4b: {  	_ =	shalt  }
0x4c: {  	_ =	shalt  }
0x4d: {  	_ =	shalt  }
0x4e: {  	_ =	shalt  }
0x4f: {  	_ =	shalt  }
0x50: {  	_ =	shalt  }
0x51: {  	_ =	shalt  }
0x52: {  	_ =	shalt  }
0x53: {  	_ =	shalt  }
0x54: {  	_ =	shalt  }
0x55: {  	_ =	shalt  }
0x56: {  	_ =	shalt  }
0x57: {  	_ =	shalt  }
0x58: {  	_ =	shalt  }
0x59: {  	_ =	shalt  }
0x5a: {  	_ =	shalt  }
0x5b: {  	_ =	shalt  }
0x5c: {  	_ =	shalt  }
0x5d: {  	_ =	shalt  }
0x5e: {  	_ =	shalt  }
0x5f: {  	_ =	shalt  }
0x60: {  	_ =	shalt  }
0x61: {  	_ =	shalt  }
0x62: {  	_ =	shalt  }
0x63: {  	_ =	shalt  }
0x64: {  	_ =	shalt  }
0x65: {  	_ =	shalt  }
0x66: {  	_ =	shalt  }
0x67: {  	_ =	shalt  }
0x68: {  	_ =	shalt  }
0x69: {  	_ =	shalt  }
0x6a: {  	_ =	shalt  }
0x6b: {  	_ =	shalt  }
0x6c: {  	_ =	shalt  }
0x6d: {  	_ =	shalt  }
0x6e: {  	_ =	shalt  }
0x6f: {  	_ =	shalt  }
0x70: {  	_ =	shalt  }
0x71: {  	_ =	shalt  }
0x72: {  	_ =	shalt  }
0x73: {  	_ =	shalt  }
0x74: {  	_ =	shalt  }
0x75: {  	_ =	shalt  }
0x76: {  	_ =	shalt  }
0x77: {  	_ =	shalt  }
0x78: {  	_ =	shalt  }
0x79: {  	_ =	shalt  }
0x7a: {  	_ =	shalt  }
0x7b: {  	_ =	shalt  }
0x7c: {  	_ =	shalt  }
0x7d: {  	_ =	shalt  }
0x7e: {  	_ =	shalt  }
0x7f: {  	_ =	shalt  }
0x80: {  	_ =	shalt  }
0x81: {  	_ =	shalt  }
0x82: {  	_ =	shalt  }
0x83: {  	_ =	shalt  }
0x84: {  	_ =	shalt  }
0x85: {  	_ =	shalt  }
0x86: {  	_ =	shalt  }
0x87: {  	_ =	shalt  }
.Lfunc_end0:
.L_simem_size_0:
called_computation.1_lowered:
.L_overlay_start_0:
0x88: {  	s2 =	sld [smem:$0x3FD9]  }
0x89: {  	s3 =	sld [smem:$0x3FFE];
	_ =	sdelay $0x1  }
0x8a: {  	s1 =	srdreg.scid  }
0x8b: {  	s0 =	sand.u32 $0x1, s1  }
0x8c: {  	s17 =	sshll.u32 s0, $0xA;
	s2 =	sadd.s32 s3, s2  }
0x8d: {  	s2 =	sadd.s32 s2, s17  }
0x8e: {  	[smem:$0x3FBE] =	sst s2  }
0x8f: {  	_ = 	snop  }
0x90: {  	s2 =	sld [smem:$0x3FC9];
	(tm) =	ssettm $0x1  }
0x91: {  	s18 =	sld [smem:$0x3FFB];
	_ =	sdelay $0x3  }
0x92: {  	_ =	strace s18  }
0x93: {  	s3 =	sld [smem:$0x3FFC];
	_ =	sdelay $0x3  }
0x94: {  	_ =	strace s3  }
0x95: {  	s3 =	sld [smem:$0x3FFD];
	_ =	sdelay $0x3  }
0x96: {  	_ =	strace s3  }
0x97: {  	_ =	strace $0x8FFFFFFF  }
0x98: {  	s19 =	sld [smem:$0x3FDB];
	_ =	sdelay $0x1  }
0x99: {  	s4 =	simm.s32 $_scs_section_size  }
0x9a: {  	s5 =	simm.s32 $_size__tile_overlayer_lowered;
	s6 =	simm.s32 $_tile_overlayer_lowered  }
0x9b: {  	s22 =	simm.s32 $0x1BFF;
	s21 =	sshll.u32 s6, $0x1;
	s3 =	sadd.s32 s4, s19  }
0x9c: {  	s7 =	simm.s32 $0x0;
	s20 =	sshll.u32 s5, $0x1;
	s5 =	sadd.s32 s21, s3  }
0x9d: {  	[timem:s7], [sflag:s22] =	dma.local [hbm:s5], s20  }
0x9e: {  	_ =	swait.ge [sflag:s22], s20  }
0x9f: {  	s4 =	ssub.s32 $0x0, s20;
	[sflag:s22] =	ssyncset.done $0x0  }
0xa0: {  	[sflag:s22] =	ssyncadd.s32 s4;
	_ =	sdelay $0x1  }
0xa1: {  	s23 =	simm.s32 $0x1B8B  }
0xa2: {  	_ =	swait.ge [sflag:s23], $0x1  }
0xa3: {  	[sflag:s23] =	ssyncset.done $0x0  }
0xa4: {  	s25 =	simm.s32 $0x1B8E;
	s24 =	sld [smem:$0x3FFE];
	[sflag:s23] =	ssyncadd.s32 $0xFFFFFFFF  }
0xa5: {  	s26 =	simm.s32 $execute0_lowered;
	[smem:$0x3FD2] =	sst s25  }
0xa6: {  	s5 =	sshll.u32 s26, $0x1;
	_ =	strace $0x80000049;
	[dreg:$0x1] =	wrdreg $0xFFFFFFFF  }
0xa7: {  	s28 =	simm.s32 $_size_execute0_lowered;
	s3 =	sadd.s32 s3, s5;
	[dreg:$0x0] =	wrdreg $0x0  }
0xa8: {  	s5 =	sshll.u32 s28, $0x1;
	[dreg:$0x2] =	wrdreg s3  }
0xa9: {  	[dreg:$0x3] =	wrdreg s5  }
0xaa: {  	[dreg:$0x4] =	wrdreg $0xC0  }
0xab: {  	_ =	task [dreg:s7], $0x5FFFF  }
0xac: {  	[dreg:$0x1] =	wrdreg $0xFFFFFFFF  }
0xad: {  	[dreg:$0x0] =	wrdreg $0x60  }
0xae: {  	[dreg:$0x2] =	wrdreg s2  }
0xaf: {  	[dreg:$0x3] =	wrdreg s24  }
0xb0: {  	[dreg:$0x4] =	wrdreg $0x0  }
0xb1: {  	[dreg:$0x5] =	wrdreg $0x9  }
0xb2: {  	_ =	task.clear_ibuf [dreg:s7], $0x6FFFF;
	_ =	strace $0x90000049  }
0xb3: {  	s29 =	simm.s32 $0x9;
	_ =	strace $0x8000004B  }
0xb4: {  	_ =	swait.ge [sflag:s29], $0x1  }
0xb5: {  	[sflag:s29] =	ssyncadd.s32 $0xFFFFFFFF  }
0xb6: {  	_ =	strace $0x9000004B  }
0xb7: {  	_ =	sfence  }
0xb8: {  	s30 =	sld [smem:$0x0];
	_ =	sdelay $0x2  }
0xb9: {  	s31 =	sshll.u32 s1, $0xD;
	s1 =	sshrl.u32 s1, $0x2  }
0xba: {  	s3 =	sand.u32 $0x4000, s31;
	s1 =	sadd.s32 s1, s30  }
0xbb: {  	s0 =	sor.u32 s3, s0;
	s1 =	sshll.u32 s1, $0x11  }
0xbc: {  	s0 =	sor.u32 s1, s0  }
0xbd: {  	s0 =	sadd.s32 $0x8F2B, s0  }
0xbe: {  	[sflag:s0] =	ssyncadd.remote.s32 $0x1  }
0xbf: {  	_ =	sfence.sel $0xFFFF  }
0xc0: {  	[dreg:$0x0] =	wrdreg $0xFFFFFFFF;
	(pc) =	sbr.abs _section_cstart, $3  }
0xc1: {  	[dreg:$0x1] =	wrdreg $0xFFFFFFFF  }
0xc2: {  	_ =	task.clear_ibuf [dreg:s7], $0x2FFFF;
	_ =	strace $0x9FFFFFFF  }
0xc3: {  	(tm) =	ssettm $0x7FFFFFFF  }
tec
execute0_lowered:
.L_overlay_start_1:
0x0: {  	(tag) =	ssettag $0x1  }
0x1: {  	s1 =	rddreg [dreg:$0x0]  }
0x2: {  	s0 =	rddreg [dreg:$0x1]  }
0x3: {  	s2 =	rddreg [dreg:$0x2];
	s3 =	srdreg.scid;
	s4 =	simm.s32 $0x0  }
0x4: {  	s11 =	stileid.u32;
	s13 =	simm.s32 $0x70;
	s19 =	simm.s32 $0x3  }
0x5: {  	s20 =	simm.s32 $0x13C00;
	s21 =	simm.s32 $0x13C80;
	s28 =	simm.s32 $0x1  }
0x6: {  	s29 =	simm.s32 $0x2;
	s30 =	simm.s32 $0x0;
	s8 =	smul.u32 $0x13C00, s11  }
0x7: {  	s3 =	sand.u32 $0x1, s3;
	[smem:$0x7FF] =	sst s4;
	s24 =	smul.u32 $0x2E, s11  }
0x8: {  	s5 =	sadd.s32 $0x2E00, s0;
	s6 =	sadd.s32 $0xCC00, s0;
	s10 =	smul.u32 $0x4F000, s11  }
0x9: {  	s22 =	sadd.s32 $0x16A00, s0;
	s26 =	sshll.u32 s11, $0x6;
	s7 =	smul.u32 $0x13C000, s3  }
0xa: {  	_ =	strace $0x8000004A;
	[dreg:$0x4] =	wrdreg s22;
	s9 =	ssub.s32 $0x2, s3  }
0xb: {  	p0 =	seq.s32 s3, $0x0;
	s3 =	smul.u32 $0x70, s11;
	s22 =	simm.s32 $0x80  }
0xc: {  	s23 =	sshrl.u32 s9, $0x1;
	s13 =	simm.s32 @!p0 $0x2E;
	s25 =	sshrl.u32 s10, $0x2  }
0xd: {  	s10 =	sor.u32 $0x1C03, s26;
	s26 =	simm.s32 $0x17E00;
	s7 =	sadd.s32 s8, s7  }
0xe: {  	s8 =	sadd.s32 $0x700, s24;
	s16 =	sadd.s32 s25, s2;
	s14 =	sadd.s32 $0xFFFFFFFE, s13  }
0xf: {  	s24 =	simm.s32 $0x17D00;
	s25 =	simm.s32 $0x17D80;
	s7 =	sshrl.u32 s7, $0x3  }
0x10: {  	s8 =	smov.u32 @p0 s3;
	s18 =	sshrl.u32 s16, $0x3;
	s0 =	sadd.s32 s7, s0  }
0x11: {  	s7 =	ssub.s32 s9, s23;
	s9 =	sshrl.u32 s13, $0x1;
	s12 =	sshll.u32 s8, $0x4  }
0x12: {  	s23 =	simm.s32 $0x13D00;
	s11 =	sadd.s32 s5, s12;
	s0 =	sadd.s32 $0x68A00, s0  }
0x13: {  	s12 =	sadd.s32 s6, s12;
	s31 =	smax.u32 s7, $0x1;
	[dreg:$0x5] =	wrdreg s0  }
0x14: {  	[dreg:$0x6] =	wrdreg s31;
	s3 =	sadd.s32 $0x10, s11;
	s7 =	sadd.s32 $0x10, s12  }
.LBB2_1:
0x15: {  	s0 =	rddreg [dreg:$0x4]  }
0x16: {  	[spmem:s18], [sflag:s10] =	dma.local [hbm:s0], $0x2780  }
0x17: {  	_ =	swait.ge [sflag:s19], $0x2780  }
0x18: {  	[sflag:s19] =	ssyncset.done $0x0  }
0x19: {  	[sflag:s19] =	ssyncadd.s32 $0xFFFFD880  }
0x1a: {  	[bflag:$0x0] =	sbarrier.arrive $0xFFFF  }
0x1b: {  	[tilespmem:s20], [sflag:$0x3] =	stream.linear.gather [hbm4b:s11+s4], $0x80, $0x38;
	[tilespmem:$0x1BE00] =	vst v63  }
0x1c: {  	_ =	swait.ge [sflag:s19], $0x80  }
0x1d: {  	[sflag:s19] =	ssyncset.done $0x0  }
0x1e: {  	[sflag:s19] =	ssyncadd.s32 $0xFFFFFF80  }
0x1f: {  	[tilespmem:s21], [sflag:$0x3] =	stream.linear.gather [hbm4b:s12+s4], $0x80, $0x38;
	[tilespmem:$0x1BE00] =	vst v63  }
0x20: {  	_ =	swait.ge [sflag:s19], $0x80  }
0x21: {  	[sflag:s19] =	ssyncset.done $0x0  }
0x22: {  	[sflag:s19] =	ssyncadd.s32 $0xFFFFFF80  }
0x23: {  	[tilespmem:s23], [sflag:$0x1] =	stream.indirect.gather [hbm4b:s1+s22], $0x80, s20, s22, $0xb8;
	[tilespmem:$0x1BE00] =	vst v63  }
0x24: {  	_ = 	snop  }
0x25: {  	[tilespmem:s24], [sflag:$0x3] =	stream.linear.gather [hbm4b:s3+s4], $0x80, $0x38;
	[tilespmem:$0x1BE00] =	vst v63  }
0x26: {  	_ =	swait.ge [sflag:s19], $0x80  }
0x27: {  	[sflag:s19] =	ssyncset.done $0x0  }
0x28: {  	[sflag:s19] =	ssyncadd.s32 $0xFFFFFF80  }
0x29: {  	[tilespmem:s25], [sflag:$0x3] =	stream.linear.gather [hbm4b:s7+s4], $0x80, $0x38;
	[tilespmem:$0x1BE00] =	vst v63  }
0x2a: {  	_ =	swait.ge [sflag:s19], $0x80  }
0x2b: {  	[sflag:s19] =	ssyncset.done $0x0  }
0x2c: {  	[sflag:s19] =	ssyncadd.s32 $0xFFFFFF80  }
0x2d: {  	[tilespmem:s26], [sflag:$0x2] =	stream.indirect.gather [hbm4b:s1+s22], $0x80, s24, s22, $0xb8;
	[tilespmem:$0x1BE00] =	vst v63  }
0x2e: {  	p0 =	sgt.s32 s14, $0x2;
	s0 =	smov.u32 s14;
	_ =	swait.ge [sflag:s28], $0x4000  }
0x2f: {  	s0 =	smov.u32 @p0 s29;
	[sflag:s28] =	ssyncset.done $0x0  }
0x30: {  	s0 =	sadd.s32 s8, s0;
	[sflag:s28] =	ssyncadd.s32 $0xFFFFC000  }
0x31: {  	[spmem:s2] =	stream.indirect.scatter.add.f32 [tilespmem:s23], [sflag:$0x3], $0x80, s21, s22, $0xb8;
	[tilespmem:$0x1BE00] =	vst v63  }
0x32: {  	s0 =	sshll.u32 s0, $0x4;
	_ =	swait.ge [sflag:s19], $0x4000  }
0x33: {  	s0 =	sand.u32 $0x1FFFFFE0, s0;
	[sflag:s19] =	ssyncset.done $0x0  }
0x34: {  	s16 =	sadd.s32 s5, s0;
	[sflag:s19] =	ssyncadd.s32 $0xFFFFC000  }
0x35: {  	[tilespmem:s20], [sflag:$0x3] =	stream.linear.gather [hbm4b:s16+s4], $0x80, $0x38;
	[tilespmem:$0x1BE00] =	vst v63  }
0x36: {  	_ =	swait.ge [sflag:s19], $0x80  }
0x37: {  	[sflag:s19] =	ssyncset.done $0x0  }
0x38: {  	s0 =	sadd.s32 s6, s0;
	[sflag:s19] =	ssyncadd.s32 $0xFFFFFF80  }
0x39: {  	[tilespmem:s21], [sflag:$0x3] =	stream.linear.gather [hbm4b:s0+s4], $0x80, $0x38;
	[tilespmem:$0x1BE00] =	vst v63  }
0x3a: {  	_ =	swait.ge [sflag:s19], $0x80  }
0x3b: {  	[sflag:s19] =	ssyncset.done $0x0  }
0x3c: {  	p0 =	sne.s32 s9, $0x1;
	[sflag:s19] =	ssyncadd.s32 $0xFFFFFF80  }
0x3d: {  	[tilespmem:s23], [sflag:$0x1] =	stream.indirect.gather [hbm4b:s1+s22], $0x80, s20, s22, $0xb8;
	[tilespmem:$0x1BE00] =	vst v63  }
.Ltmp0:
0x3e: {  	_ =	swait.ge [sflag:s29], $0x4000;
	(pc) =	sbr.rel @!p0 .LBB2_3-.Ltmp0, $4  }
0x3f: {  	[sflag:s29] =	ssyncset.done $0x0  }
0x40: {  	s31 =	sadd.s32 $0xFFFFFFFF, s9;
	s17 =	smov.u32 s7;
	[sflag:s29] =	ssyncadd.s32 $0xFFFFC000  }
0x41: {  	[spmem:s2] =	stream.indirect.scatter.add.f32 [tilespmem:s26], [sflag:$0x3], $0x80, s25, s22, $0xb8;
	[tilespmem:$0x1BE00] =	vst v63  }
0x42: {  	s16 =	smov.u32 s3;
	s0 =	simm.s32 $0x4;
	_ =	swait.ge [sflag:s19], $0x4000  }
.LBB2_2:
0x43: {  	[sflag:s19] =	ssyncset.done $0x0;
	s16 =	sadd.s32 $0x20, s16;
	s17 =	sadd.s32 $0x20, s17  }
0x44: {  	p0 =	sne.s32 s31, $0x1;
	s31 =	sadd.s32 $0xFFFFFFFF, s31;
	[sflag:s19] =	ssyncadd.s32 $0xFFFFC000  }
0x45: {  	[tilespmem:s24], [sflag:$0x3] =	stream.linear.gather [hbm4b:s16+s4], $0x80, $0x38;
	[tilespmem:$0x1BE00] =	vst v63  }
0x46: {  	_ =	swait.ge [sflag:s19], $0x80  }
0x47: {  	[sflag:s19] =	ssyncset.done $0x0  }
0x48: {  	[sflag:s19] =	ssyncadd.s32 $0xFFFFFF80  }
0x49: {  	[tilespmem:s25], [sflag:$0x3] =	stream.linear.gather [hbm4b:s17+s4], $0x80, $0x38;
	[tilespmem:$0x1BE00] =	vst v63  }
0x4a: {  	_ =	swait.ge [sflag:s19], $0x80  }
0x4b: {  	[sflag:s19] =	ssyncset.done $0x0  }
0x4c: {  	[sflag:s19] =	ssyncadd.s32 $0xFFFFFF80  }
0x4d: {  	[tilespmem:s26], [sflag:$0x2] =	stream.indirect.gather [hbm4b:s1+s22], $0x80, s24, s22, $0xb8;
	[tilespmem:$0x1BE00] =	vst v63  }
0x4e: {  	p1 =	slt.s32 s0, s14;
	s13 =	smov.u32 s14;
	_ =	swait.ge [sflag:s28], $0x4000  }
0x4f: {  	s13 =	smov.u32 @p1 s0;
	[sflag:s28] =	ssyncset.done $0x0  }
0x50: {  	s13 =	sadd.s32 s8, s13;
	[sflag:s28] =	ssyncadd.s32 $0xFFFFC000  }
0x51: {  	[spmem:s2] =	stream.indirect.scatter.add.f32 [tilespmem:s23], [sflag:$0x3], $0x80, s21, s22, $0xb8;
	[tilespmem:$0x1BE00] =	vst v63  }
0x52: {  	s13 =	sshll.u32 s13, $0x4;
	_ =	swait.ge [sflag:s19], $0x4000  }
0x53: {  	s13 =	sand.u32 $0x1FFFFFE0, s13;
	[sflag:s19] =	ssyncset.done $0x0  }
0x54: {  	s15 =	sadd.s32 s5, s13;
	[sflag:s19] =	ssyncadd.s32 $0xFFFFC000  }
0x55: {  	[tilespmem:s20], [sflag:$0x3] =	stream.linear.gather [hbm4b:s15+s4], $0x80, $0x38;
	[tilespmem:$0x1BE00] =	vst v63  }
0x56: {  	_ =	swait.ge [sflag:s19], $0x80  }
0x57: {  	s13 =	sadd.s32 s6, s13;
	[sflag:s19] =	ssyncset.done $0x0  }
0x58: {  	[sflag:s19] =	ssyncadd.s32 $0xFFFFFF80  }
0x59: {  	[tilespmem:s21], [sflag:$0x3] =	stream.linear.gather [hbm4b:s13+s4], $0x80, $0x38;
	[tilespmem:$0x1BE00] =	vst v63  }
0x5a: {  	_ =	swait.ge [sflag:s19], $0x80  }
0x5b: {  	[sflag:s19] =	ssyncset.done $0x0  }
0x5c: {  	[sflag:s19] =	ssyncadd.s32 $0xFFFFFF80  }
0x5d: {  	[tilespmem:s23], [sflag:$0x1] =	stream.indirect.gather [hbm4b:s1+s22], $0x80, s20, s22, $0xb8;
	[tilespmem:$0x1BE00] =	vst v63  }
.Ltmp1:
0x5e: {  	_ =	swait.ge [sflag:s29], $0x4000;
	(pc) =	sbr.rel @p0 .LBB2_2-.Ltmp1, $4  }
0x5f: {  	[sflag:s29] =	ssyncset.done $0x0  }
0x60: {  	[sflag:s29] =	ssyncadd.s32 $0xFFFFC000  }
0x61: {  	[spmem:s2] =	stream.indirect.scatter.add.f32 [tilespmem:s26], [sflag:$0x3], $0x80, s25, s22, $0xb8;
	[tilespmem:$0x1BE00] =	vst v63  }
0x62: {  	s0 =	sadd.s32 $0x2, s0;
	_ =	swait.ge [sflag:s19], $0x4000  }
.LBB2_3:
0x63: {  	[sflag:s19] =	ssyncset.done $0x0  }
0x64: {  	[sflag:s19] =	ssyncadd.s32 $0xFFFFC000  }
0x65: {  	_ =	swait.ge [sflag:s28], $0x4000  }
0x66: {  	[sflag:s28] =	ssyncset.done $0x0  }
0x67: {  	[sflag:s28] =	ssyncadd.s32 $0xFFFFC000  }
0x68: {  	[bflag:$0x0] =	sbarrier.arrive $0xFFFF  }
0x69: {  	s0 =	rddreg [dreg:$0x5]  }
0x6a: {  	[hbm:s0], [sflag:s10] =	dma.local [spmem:s18], $0x2780  }
0x6b: {  	_ =	swait.ge [sflag:s19], $0x2780  }
0x6c: {  	s30 =	sadd.s32 $0x1, s30;
	s31 =	rddreg [dreg:$0x6]  }
0x6d: {  	p0 =	sne.s32 s30, s31  }
.Ltmp2:
0x6e: {  	_ = 	snop;
	(pc) =	sbr.rel @p0 .LBB2_1-.Ltmp2, $3  }
0x6f: {  	_ =	sdelay $0x1  }
0x70: {  	[sflag:s19] =	ssyncset.done $0x0  }
0x71: {  	[sflag:s19] =	ssyncadd.s32 $0xFFFFD880  }
0x72: {  	_ =	sfence.sel $0x180000  }
0x73: {  	[bflag:$0x0] =	sbarrier.arrive $0xFFFF  }
0x74: {  	_ =	strace $0x9000004A  }
0x75: {  	s0 =	stileid.u32;
	[bflag:$0x2] =	sbarrier.arrive $0xFFFF  }
0x76: {  	p0 =	sne.s32 s0, $0x0;
	s0 =	rddreg [dreg:$0x3]  }
0x77: {  	s0 =	sadd.s32 @!p0 $0x100000, s0  }
0x78: {  	[sflag:s0] =	ssyncadd.tile.s32 @!p0 $0x1;
	_ =	shalt  }
.Lfunc_end2:
_tile_overlayer_lowered:
.L_overlay_start_2:
0x79: {  	(tag) =	ssettag $0x2  }
0x7a: {  	s0 =	rddreg [dreg:$0x0];
	s2 =	stileid.u32  }
0x7b: {  	s1 =	rddreg [dreg:$0x1];
	p0 =	sne.s32 s2, $0x0  }
0x7c: {  	s3 =	rddreg [dreg:$0x2];
	[bflag:$0x3] =	sbarrier.arrive $0xFFFF;
	s2 =	simm.s32 @!p0 $0x1C03  }
0x7d: {  	[timem:s3], [sflag:s2] =	dma.local @!p0 [hbm:s0], s1  }
0x7e: {  	s0 =	simm.s32 @!p0 $0x3  }
0x7f: {  	_ =	swait.ge @!p0 [sflag:s0], s1  }
0x80: {  	s1 =	ssub.s32 @!p0 $0x0, s1;
	[sflag:s0] =	ssyncset.done @!p0 $0x0  }
0x81: {  	[sflag:s0] =	ssyncadd.s32 @!p0 s1  }
0x82: {  	[bflag:$0x3] =	sbarrier.arrive $0xFFFF  }
0x83: {  	_ =	shalt  }

// kernel: kernel.13.cloned.1.call-start
scs
__scs_entry_jumppad:
0x0: {  	(pc) =	sbr.rel $0x88, $3  }
0x1: {  	(tag) =	ssettag $0x0;
	lr =	simm.s32 $0x1  }
0x2: {  	[smem:$0x3F97] =	sst lr;
	_ =	strace $0xD0000000  }
0x3: {  	_ = 	snop  }
0x4: {  	_ = 	snop  }
0x5: {  	_ = 	snop  }
0x6: {  	_ = 	snop  }
0x7: {  	_ = 	snop  }
__scs_overlays_trampoline_lowered:
0x8: {  	[smem:$0x3FA6] =	sst s0  }
0x9: {  	[smem:$0x3FA7] =	sst s1  }
0xa: {  	[smem:$0x3FA8] =	sst s2  }
0xb: {  	[smem:$0x3FA9] =	sst s3  }
0xc: {  	[smem:$0x3FAA] =	sst s4  }
0xd: {  	[smem:$0x3FAB] =	sst s5  }
0xe: {  	[smem:$0x3FAC] =	sst s6  }
0xf: {  	[smem:$0x3FAD] =	sst s7  }
0x10: {  	[smem:$0x3FAE] =	sst s8  }
0x11: {  	[smem:$0x3FAF] =	sst s9;
	s0 =	simm.s32 @!p0 $0x0  }
0x12: {  	s1 =	sld [smem:$0x3F95];
	s0 =	simm.s32 @p0 $0x1  }
0x13: {  	[smem:$0x3FB0] =	sst s0;
	s0 =	simm.s32 @!p1 $0x0  }
0x14: {  	s2 =	sld [smem:$0x3F94];
	s0 =	simm.s32 @p1 $0x1  }
0x15: {  	[smem:$0x3FB1] =	sst s0;
	s0 =	simm.s32 @!p2 $0x0  }
0x16: {  	s3 =	sld [smem:$0x3FDB];
	s0 =	simm.s32 @p2 $0x1  }
0x17: {  	s4 =	simm.s32 $0x1BF5;
	[smem:$0x3FB3] =	sst s0  }
0x18: {  	s0 =	sld [smem:$0x3F96];
	_ =	swait.ge [sflag:s4], $0x0  }
0x19: {  	s7 =	sld [smem:$0x3F97]  }
0x1a: {  	s8 =	sadd.s32 $0xFFFFE003, lr  }
0x1b: {  	s9 =	sadd.s32 $0xFFFFFEF7, lr;
	s5 =	simm.s32 $0xFFFFFFFF;
	p2 =	slt.u32 s8, $0xFFFFF086  }
0x1c: {  	p1 =	slt.u32 s9, $0xF7A;
	s5 =	simm.s32 @!p2 $0x0  }
0x1d: {  	s5 =	simm.s32 @p1 $0x1;
	p0 =	seq.s32 s7, s2  }
0x1e: {  	s7 =	smul.u32 @!p0 $0xF7A, s2;
	p2 =	seq.s32 @!p0 s5, $0x0  }
0x1f: {  	s9 =	smul.u32 $0xF7A, s1;
	s8 =	simm.s32 @!p0 $0x1BF5;
	p2 =	por !p2, p0  }
0x20: {  	[sflag:s8] =	ssyncset.s32 @!p0 $0xFFFFF086;
	s6 =	sadd.s32 @!p0 s3, s7;
	s7 =	simm.s32 @!p0 $0x108  }
0x21: {  	s3 =	sadd.s32 s3, s9;
	s6 =	sadd.s32 @!p0 $0x88, s6;
	s7 =	simm.s32 @p2 $0x1082  }
0x22: {  	[simem:s7], [sflag:s8] =	dma.local @!p0 [hbm:s6], $0xF7A  }
0x23: {  	s9 =	sor.u32 $0xD0000000, s2;
	s6 =	simm.s32 $0x108;
	_ =	swait.ge @!p0 [sflag:s8], $0x0  }
0x24: {  	s3 =	sadd.s32 $0x88, s3;
	s6 =	simm.s32 @!p1 $0x1082;
	[sflag:s4] =	ssyncset.s32 $0xFFFFF086  }
0x25: {  	[simem:s6], [sflag:s4] =	dma.local [hbm:s3], $0xF7A  }
0x26: {  	[smem:$0x3F97] =	sst s1;
	(tag) =	ssettag s2;
	_ =	strace s9  }
0x27: {  	s1 =	sld [smem:$0x3FA7]  }
0x28: {  	s2 =	sld [smem:$0x3FA8]  }
0x29: {  	s4 =	sld [smem:$0x3FAA]  }
0x2a: {  	p0 =	seq.s32 s5, $0x0;
	s5 =	sld [smem:$0x3FAB]  }
0x2b: {  	s6 =	sld [smem:$0x3FAC]  }
0x2c: {  	s7 =	sld [smem:$0x3FAD]  }
0x2d: {  	s3 =	simm.s32 $0x108;
	s8 =	sld [smem:$0x3FAE]  }
0x2e: {  	s3 =	simm.s32 @!p0 $0x1082;
	s9 =	sld [smem:$0x3FAF]  }
0x2f: {  	lr =	sadd.s32 s0, s3;
	s0 =	sld [smem:$0x3FA6]  }
0x30: {  	s3 =	sld [smem:$0x3FA9]  }
0x31: {  	[smem:$0x3FB2] =	sst s10  }
0x32: {  	s10 =	sld [smem:$0x3FB0];
	_ =	sdelay $0x3  }
0x33: {  	p0 =	seq.s32 s10, $0x1;
	s10 =	sld [smem:$0x3FB2];
	_ =	sdelay $0x3  }
0x34: {  	[smem:$0x3FB2] =	sst s10  }
0x35: {  	s10 =	sld [smem:$0x3FB1];
	_ =	sdelay $0x3  }
0x36: {  	p1 =	seq.s32 s10, $0x1;
	s10 =	sld [smem:$0x3FB2];
	_ =	sdelay $0x3  }
0x37: {  	[smem:$0x3FB2] =	sst s10  }
0x38: {  	s10 =	sld [smem:$0x3FB3]  }
0x39: {  	_ = 	snop;
	(pc) =	sbr.ind lr, $3  }
0x3a: {  	_ = 	snop  }
0x3b: {  	_ = 	snop  }
0x3c: {  	p2 =	seq.s32 s10, $0x1;
	s10 =	sld [smem:$0x3FB2]  }
0x3d: {  	_ =	shalt  }
0x3e: {  	_ =	shalt  }
0x3f: {  	_ =	shalt  }
0x40: {  	_ =	shalt  }
0x41: {  	_ =	shalt  }
0x42: {  	_ =	shalt  }
0x43: {  	_ =	shalt  }
0x44: {  	_ =	shalt  }
0x45: {  	_ =	shalt  }
0x46: {  	_ =	shalt  }
0x47: {  	_ =	shalt  }
0x48: {  	_ =	shalt  }
0x49: {  	_ =	shalt  }
0x4a: {  	_ =	shalt  }
0x4b: {  	_ =	shalt  }
0x4c: {  	_ =	shalt  }
0x4d: {  	_ =	shalt  }
0x4e: {  	_ =	shalt  }
0x4f: {  	_ =	shalt  }
0x50: {  	_ =	shalt  }
0x51: {  	_ =	shalt  }
0x52: {  	_ =	shalt  }
0x53: {  	_ =	shalt  }
0x54: {  	_ =	shalt  }
0x55: {  	_ =	shalt  }
0x56: {  	_ =	shalt  }
0x57: {  	_ =	shalt  }
0x58: {  	_ =	shalt  }
0x59: {  	_ =	shalt  }
0x5a: {  	_ =	shalt  }
0x5b: {  	_ =	shalt  }
0x5c: {  	_ =	shalt  }
0x5d: {  	_ =	shalt  }
0x5e: {  	_ =	shalt  }
0x5f: {  	_ =	shalt  }
0x60: {  	_ =	shalt  }
0x61: {  	_ =	shalt  }
0x62: {  	_ =	shalt  }
0x63: {  	_ =	shalt  }
0x64: {  	_ =	shalt  }
0x65: {  	_ =	shalt  }
0x66: {  	_ =	shalt  }
0x67: {  	_ =	shalt  }
0x68: {  	_ =	shalt  }
0x69: {  	_ =	shalt  }
0x6a: {  	_ =	shalt  }
0x6b: {  	_ =	shalt  }
0x6c: {  	_ =	shalt  }
0x6d: {  	_ =	shalt  }
0x6e: {  	_ =	shalt  }
0x6f: {  	_ =	shalt  }
0x70: {  	_ =	shalt  }
0x71: {  	_ =	shalt  }
0x72: {  	_ =	shalt  }
0x73: {  	_ =	shalt  }
0x74: {  	_ =	shalt  }
0x75: {  	_ =	shalt  }
0x76: {  	_ =	shalt  }
0x77: {  	_ =	shalt  }
0x78: {  	_ =	shalt  }
0x79: {  	_ =	shalt  }
0x7a: {  	_ =	shalt  }
0x7b: {  	_ =	shalt  }
0x7c: {  	_ =	shalt  }
0x7d: {  	_ =	shalt  }
0x7e: {  	_ =	shalt  }
0x7f: {  	_ =	shalt  }
0x80: {  	_ =	shalt  }
0x81: {  	_ =	shalt  }
0x82: {  	_ =	shalt  }
0x83: {  	_ =	shalt  }
0x84: {  	_ =	shalt  }
0x85: {  	_ =	shalt  }
0x86: {  	_ =	shalt  }
0x87: {  	_ =	shalt  }
.Lfunc_end0:
.L_simem_size_0:
called_computation.2_lowered:
.L_overlay_start_0:
0x88: {  	s2 =	sld [smem:$0x3FD9]  }
0x89: {  	s3 =	sld [smem:$0x3FFE];
	_ =	sdelay $0x1  }
0x8a: {  	s1 =	srdreg.scid  }
0x8b: {  	s0 =	sand.u32 $0x1, s1  }
0x8c: {  	s16 =	sshll.u32 s0, $0xA;
	s2 =	sadd.s32 s3, s2  }
0x8d: {  	s2 =	sadd.s32 s2, s16  }
0x8e: {  	[smem:$0x3FBE] =	sst s2  }
0x8f: {  	_ = 	snop  }
0x90: {  	(tm) =	ssettm $0x1  }
0x91: {  	s17 =	sld [smem:$0x3FFB];
	_ =	sdelay $0x3  }
0x92: {  	_ =	strace s17  }
0x93: {  	s2 =	sld [smem:$0x3FFC];
	_ =	sdelay $0x3  }
0x94: {  	_ =	strace s2  }
0x95: {  	s2 =	sld [smem:$0x3FFD];
	_ =	sdelay $0x3  }
0x96: {  	_ =	strace s2  }
0x97: {  	_ =	strace $0x8FFFFFFF  }
0x98: {  	s18 =	sld [smem:$0x3FDB];
	_ =	sdelay $0x1  }
0x99: {  	s19 =	simm.s32 $_scs_section_size  }
0x9a: {  	s4 =	simm.s32 $_size__tile_overlayer_lowered;
	s5 =	simm.s32 $_tile_overlayer_lowered  }
0x9b: {  	s22 =	simm.s32 $0x1BFF;
	s21 =	sshll.u32 s5, $0x1;
	s2 =	sadd.s32 s19, s18  }
0x9c: {  	s6 =	simm.s32 $0x0;
	s20 =	sshll.u32 s4, $0x1;
	s4 =	sadd.s32 s21, s2  }
0x9d: {  	[timem:s6], [sflag:s22] =	dma.local [hbm:s4], s20  }
0x9e: {  	_ =	swait.ge [sflag:s22], s20  }
0x9f: {  	s3 =	ssub.s32 $0x0, s20;
	[sflag:s22] =	ssyncset.done $0x0  }
0xa0: {  	[sflag:s22] =	ssyncadd.s32 s3;
	_ =	sdelay $0x1  }
0xa1: {  	s23 =	simm.s32 $0x1B8B  }
0xa2: {  	_ =	swait.ge [sflag:s23], $0x1  }
0xa3: {  	[sflag:s23] =	ssyncset.done $0x0  }
0xa4: {  	s25 =	simm.s32 $0x1B8E;
	s24 =	sld [smem:$0x3FFE];
	[sflag:s23] =	ssyncadd.s32 $0xFFFFFFFF  }
0xa5: {  	s26 =	simm.s32 $execute0_lowered;
	[smem:$0x3FD2] =	sst s25  }
0xa6: {  	s4 =	sshll.u32 s26, $0x1;
	_ =	strace $0x8000004C;
	[dreg:$0x1] =	wrdreg $0xFFFFFFFF  }
0xa7: {  	s28 =	simm.s32 $_size_execute0_lowered;
	s2 =	sadd.s32 s2, s4;
	[dreg:$0x0] =	wrdreg $0x0  }
0xa8: {  	s4 =	sshll.u32 s28, $0x1;
	[dreg:$0x2] =	wrdreg s2  }
0xa9: {  	[dreg:$0x3] =	wrdreg s4  }
0xaa: {  	[dreg:$0x4] =	wrdreg $0xC0  }
0xab: {  	_ =	task [dreg:s6], $0x5FFFF  }
0xac: {  	[dreg:$0x1] =	wrdreg $0xFFFFFFFF  }
0xad: {  	[dreg:$0x0] =	wrdreg $0x60  }
0xae: {  	[dreg:$0x2] =	wrdreg s24  }
0xaf: {  	[dreg:$0x3] =	wrdreg $0x0  }
0xb0: {  	[dreg:$0x4] =	wrdreg $0x9  }
0xb1: {  	_ =	task.clear_ibuf [dreg:s6], $0x5FFFF;
	_ =	strace $0x9000004C  }
0xb2: {  	s29 =	simm.s32 $0x9;
	_ =	strace $0x8000004E  }
0xb3: {  	_ =	swait.ge [sflag:s29], $0x1  }
0xb4: {  	[sflag:s29] =	ssyncadd.s32 $0xFFFFFFFF  }
0xb5: {  	_ =	strace $0x9000004E  }
0xb6: {  	_ =	sfence  }
0xb7: {  	s30 =	sld [smem:$0x0];
	_ =	sdelay $0x2  }
0xb8: {  	s31 =	sshll.u32 s1, $0xD;
	s1 =	sshrl.u32 s1, $0x2  }
0xb9: {  	s3 =	sand.u32 $0x4000, s31;
	s1 =	sadd.s32 s1, s30  }
0xba: {  	s0 =	sor.u32 s3, s0;
	s1 =	sshll.u32 s1, $0x11  }
0xbb: {  	s0 =	sor.u32 s1, s0  }
0xbc: {  	s0 =	sadd.s32 $0x8F2B, s0  }
0xbd: {  	[sflag:s0] =	ssyncadd.remote.s32 $0x1  }
0xbe: {  	_ =	sfence.sel $0xFFFF  }
0xbf: {  	[dreg:$0x0] =	wrdreg $0xFFFFFFFF;
	(pc) =	sbr.abs _section_cstart, $3  }
0xc0: {  	[dreg:$0x1] =	wrdreg $0xFFFFFFFF  }
0xc1: {  	_ =	task.clear_ibuf [dreg:s6], $0x2FFFF;
	_ =	strace $0x9FFFFFFF  }
0xc2: {  	(tm) =	ssettm $0x7FFFFFFF  }
0xc3: {  	_ =	shalt  }
tec
execute0_lowered:
.L_overlay_start_1:
0x0: {  	(tag) =	ssettag $0x1  }
0x1: {  	s0 =	rddreg [dreg:$0x0]  }
0x2: {  	s1 =	rddreg [dreg:$0x1]  }
0x3: {  	s2 =	srdreg.scid;
	s3 =	simm.s32 $0x0;
	s11 =	stileid.u32  }
0x4: {  	s13 =	simm.s32 $0x70;
	s19 =	simm.s32 $0x3;
	s20 =	simm.s32 $0x13C00  }
0x5: {  	s21 =	simm.s32 $0x13C80;
	s28 =	simm.s32 $0x1;
	s29 =	simm.s32 $0x2  }
0x6: {  	s30 =	simm.s32 $0x0;
	s2 =	sand.u32 $0x1, s2;
	s8 =	smul.u32 $0x13C00, s11  }
0x7: {  	[smem:$0x7FF] =	sst s3;
	s4 =	sadd.s32 $0x68A00, s0;
	s24 =	smul.u32 $0x2E, s11  }
0x8: {  	s5 =	sadd.s32 $0x2E00, s0;
	s6 =	sadd.s32 $0xCC00, s0;
	s10 =	smul.u32 $0x4F000, s11  }
0x9: {  	s22 =	sadd.s32 $0x16A00, s0;
	s26 =	sshll.u32 s11, $0x6;
	s7 =	smul.u32 $0x13C000, s2  }
0xa: {  	_ =	strace $0x8000004D;
	[dreg:$0x3] =	wrdreg s22;
	s9 =	ssub.s32 $0x2, s2  }
0xb: {  	p0 =	seq.s32 s2, $0x0;
	s2 =	smul.u32 $0x70, s11;
	s22 =	simm.s32 $0x80  }
0xc: {  	s23 =	sshrl.u32 s9, $0x1;
	s13 =	simm.s32 @!p0 $0x2E;
	s25 =	sshrl.u32 s10, $0x2  }
0xd: {  	s10 =	sor.u32 $0x1C03, s26;
	s26 =	simm.s32 $0x17E00;
	s7 =	sadd.s32 s8, s7  }
0xe: {  	s8 =	sadd.s32 $0x700, s24;
	s16 =	sadd.s32 s25, s1;
	s14 =	sadd.s32 $0xFFFFFFFE, s13  }
0xf: {  	s24 =	simm.s32 $0x17D00;
	s25 =	simm.s32 $0x17D80;
	s7 =	sshrl.u32 s7, $0x3  }
0x10: {  	s8 =	smov.u32 @p0 s2;
	s18 =	sshrl.u32 s16, $0x3;
	s0 =	sadd.s32 s7, s0  }
0x11: {  	s7 =	ssub.s32 s9, s23;
	s9 =	sshrl.u32 s13, $0x1;
	s12 =	sshll.u32 s8, $0x4  }
0x12: {  	s23 =	simm.s32 $0x13D00;
	s11 =	sadd.s32 s5, s12;
	s0 =	sadd.s32 $0x8FC00, s0  }
0x13: {  	s12 =	sadd.s32 s6, s12;
	s31 =	smax.u32 s7, $0x1;
	[dreg:$0x4] =	wrdreg s0  }
0x14: {  	[dreg:$0x5] =	wrdreg s31;
	s2 =	sadd.s32 $0x10, s11;
	s7 =	sadd.s32 $0x10, s12  }
.LBB2_1:
0x15: {  	s0 =	rddreg [dreg:$0x3]  }
0x16: {  	[spmem:s18], [sflag:s10] =	dma.local [hbm:s0], $0x2780  }
0x17: {  	_ =	swait.ge [sflag:s19], $0x2780  }
0x18: {  	[sflag:s19] =	ssyncset.done $0x0  }
0x19: {  	[sflag:s19] =	ssyncadd.s32 $0xFFFFD880  }
0x1a: {  	[bflag:$0x0] =	sbarrier.arrive $0xFFFF  }
0x1b: {  	[tilespmem:s20], [sflag:$0x3] =	stream.linear.gather [hbm4b:s11+s3], $0x80, $0x38;
	[tilespmem:$0x1BE00] =	vst v63  }
0x1c: {  	_ =	swait.ge [sflag:s19], $0x80  }
0x1d: {  	[sflag:s19] =	ssyncset.done $0x0  }
0x1e: {  	[sflag:s19] =	ssyncadd.s32 $0xFFFFFF80  }
0x1f: {  	[tilespmem:s21], [sflag:$0x3] =	stream.linear.gather [hbm4b:s12+s3], $0x80, $0x38;
	[tilespmem:$0x1BE00] =	vst v63  }
0x20: {  	_ =	swait.ge [sflag:s19], $0x80  }
0x21: {  	[sflag:s19] =	ssyncset.done $0x0  }
0x22: {  	[sflag:s19] =	ssyncadd.s32 $0xFFFFFF80  }
0x23: {  	[tilespmem:s23], [sflag:$0x1] =	stream.indirect.gather [hbm4b:s4+s22], $0x80, s20, s22, $0xb8;
	[tilespmem:$0x1BE00] =	vst v63  }
0x24: {  	_ = 	snop  }
0x25: {  	[tilespmem:s24], [sflag:$0x3] =	stream.linear.gather [hbm4b:s2+s3], $0x80, $0x38;
	[tilespmem:$0x1BE00] =	vst v63  }
0x26: {  	_ =	swait.ge [sflag:s19], $0x80  }
0x27: {  	[sflag:s19] =	ssyncset.done $0x0  }
0x28: {  	[sflag:s19] =	ssyncadd.s32 $0xFFFFFF80  }
0x29: {  	[tilespmem:s25], [sflag:$0x3] =	stream.linear.gather [hbm4b:s7+s3], $0x80, $0x38;
	[tilespmem:$0x1BE00] =	vst v63  }
0x2a: {  	_ =	swait.ge [sflag:s19], $0x80  }
0x2b: {  	[sflag:s19] =	ssyncset.done $0x0  }
0x2c: {  	[sflag:s19] =	ssyncadd.s32 $0xFFFFFF80  }
0x2d: {  	[tilespmem:s26], [sflag:$0x2] =	stream.indirect.gather [hbm4b:s4+s22], $0x80, s24, s22, $0xb8;
	[tilespmem:$0x1BE00] =	vst v63  }
0x2e: {  	p0 =	sgt.s32 s14, $0x2;
	s0 =	smov.u32 s14;
	_ =	swait.ge [sflag:s28], $0x4000  }
0x2f: {  	s0 =	smov.u32 @p0 s29;
	[sflag:s28] =	ssyncset.done $0x0  }
0x30: {  	s0 =	sadd.s32 s8, s0;
	[sflag:s28] =	ssyncadd.s32 $0xFFFFC000  }
0x31: {  	[spmem:s1] =	stream.indirect.scatter.add.f32 [tilespmem:s23], [sflag:$0x3], $0x80, s21, s22, $0xb8;
	[tilespmem:$0x1BE00] =	vst v63  }
0x32: {  	s0 =	sshll.u32 s0, $0x4;
	_ =	swait.ge [sflag:s19], $0x4000  }
0x33: {  	s0 =	sand.u32 $0x1FFFFFE0, s0;
	[sflag:s19] =	ssyncset.done $0x0  }
0x34: {  	s16 =	sadd.s32 s5, s0;
	[sflag:s19] =	ssyncadd.s32 $0xFFFFC000  }
0x35: {  	[tilespmem:s20], [sflag:$0x3] =	stream.linear.gather [hbm4b:s16+s3], $0x80, $0x38;
	[tilespmem:$0x1BE00] =	vst v63  }
0x36: {  	_ =	swait.ge [sflag:s19], $0x80  }
0x37: {  	[sflag:s19] =	ssyncset.done $0x0  }
0x38: {  	s0 =	sadd.s32 s6, s0;
	[sflag:s19] =	ssyncadd.s32 $0xFFFFFF80  }
0x39: {  	[tilespmem:s21], [sflag:$0x3] =	stream.linear.gather [hbm4b:s0+s3], $0x80, $0x38;
	[tilespmem:$0x1BE00] =	vst v63  }
0x3a: {  	_ =	swait.ge [sflag:s19], $0x80  }
0x3b: {  	[sflag:s19] =	ssyncset.done $0x0  }
0x3c: {  	p0 =	sne.s32 s9, $0x1;
	[sflag:s19] =	ssyncadd.s32 $0xFFFFFF80  }
0x3d: {  	[tilespmem:s23], [sflag:$0x1] =	stream.indirect.gather [hbm4b:s4+s22], $0x80, s20, s22, $0xb8;
	[tilespmem:$0x1BE00] =	vst v63  }
.Ltmp0:
0x3e: {  	_ =	swait.ge [sflag:s29], $0x4000;
	(pc) =	sbr.rel @!p0 .LBB2_3-.Ltmp0, $4  }
0x3f: {  	[sflag:s29] =	ssyncset.done $0x0  }
0x40: {  	s31 =	sadd.s32 $0xFFFFFFFF, s9;
	s17 =	smov.u32 s7;
	[sflag:s29] =	ssyncadd.s32 $0xFFFFC000  }
0x41: {  	[spmem:s1] =	stream.indirect.scatter.add.f32 [tilespmem:s26], [sflag:$0x3], $0x80, s25, s22, $0xb8;
	[tilespmem:$0x1BE00] =	vst v63  }
0x42: {  	s16 =	smov.u32 s2;
	s0 =	simm.s32 $0x4;
	_ =	swait.ge [sflag:s19], $0x4000  }
.LBB2_2:
0x43: {  	[sflag:s19] =	ssyncset.done $0x0;
	s16 =	sadd.s32 $0x20, s16;
	s17 =	sadd.s32 $0x20, s17  }
0x44: {  	p0 =	sne.s32 s31, $0x1;
	s31 =	sadd.s32 $0xFFFFFFFF, s31;
	[sflag:s19] =	ssyncadd.s32 $0xFFFFC000  }
0x45: {  	[tilespmem:s24], [sflag:$0x3] =	stream.linear.gather [hbm4b:s16+s3], $0x80, $0x38;
	[tilespmem:$0x1BE00] =	vst v63  }
0x46: {  	_ =	swait.ge [sflag:s19], $0x80  }
0x47: {  	[sflag:s19] =	ssyncset.done $0x0  }
0x48: {  	[sflag:s19] =	ssyncadd.s32 $0xFFFFFF80  }
0x49: {  	[tilespmem:s25], [sflag:$0x3] =	stream.linear.gather [hbm4b:s17+s3], $0x80, $0x38;
	[tilespmem:$0x1BE00] =	vst v63  }
0x4a: {  	_ =	swait.ge [sflag:s19], $0x80  }
0x4b: {  	[sflag:s19] =	ssyncset.done $0x0  }
0x4c: {  	[sflag:s19] =	ssyncadd.s32 $0xFFFFFF80  }
0x4d: {  	[tilespmem:s26], [sflag:$0x2] =	stream.indirect.gather [hbm4b:s4+s22], $0x80, s24, s22, $0xb8;
	[tilespmem:$0x1BE00] =	vst v63  }
0x4e: {  	p1 =	slt.s32 s0, s14;
	s13 =	smov.u32 s14;
	_ =	swait.ge [sflag:s28], $0x4000  }
0x4f: {  	s13 =	smov.u32 @p1 s0;
	[sflag:s28] =	ssyncset.done $0x0  }
0x50: {  	s13 =	sadd.s32 s8, s13;
	[sflag:s28] =	ssyncadd.s32 $0xFFFFC000  }
0x51: {  	[spmem:s1] =	stream.indirect.scatter.add.f32 [tilespmem:s23], [sflag:$0x3], $0x80, s21, s22, $0xb8;
	[tilespmem:$0x1BE00] =	vst v63  }
0x52: {  	s13 =	sshll.u32 s13, $0x4;
	_ =	swait.ge [sflag:s19], $0x4000  }
0x53: {  	s13 =	sand.u32 $0x1FFFFFE0, s13;
	[sflag:s19] =	ssyncset.done $0x0  }
0x54: {  	s15 =	sadd.s32 s5, s13;
	[sflag:s19] =	ssyncadd.s32 $0xFFFFC000  }
0x55: {  	[tilespmem:s20], [sflag:$0x3] =	stream.linear.gather [hbm4b:s15+s3], $0x80, $0x38;
	[tilespmem:$0x1BE00] =	vst v63  }
0x56: {  	_ =	swait.ge [sflag:s19], $0x80  }
0x57: {  	s13 =	sadd.s32 s6, s13;
	[sflag:s19] =	ssyncset.done $0x0  }
0x58: {  	[sflag:s19] =	ssyncadd.s32 $0xFFFFFF80  }
0x59: {  	[tilespmem:s21], [sflag:$0x3] =	stream.linear.gather [hbm4b:s13+s3], $0x80, $0x38;
	[tilespmem:$0x1BE00] =	vst v63  }
0x5a: {  	_ =	swait.ge [sflag:s19], $0x80  }
0x5b: {  	[sflag:s19] =	ssyncset.done $0x0  }
0x5c: {  	[sflag:s19] =	ssyncadd.s32 $0xFFFFFF80  }
0x5d: {  	[tilespmem:s23], [sflag:$0x1] =	stream.indirect.gather [hbm4b:s4+s22], $0x80, s20, s22, $0xb8;
	[tilespmem:$0x1BE00] =	vst v63  }
.Ltmp1:
0x5e: {  	_ =	swait.ge [sflag:s29], $0x4000;
	(pc) =	sbr.rel @p0 .LBB2_2-.Ltmp1, $4  }
0x5f: {  	[sflag:s29] =	ssyncset.done $0x0  }
0x60: {  	[sflag:s29] =	ssyncadd.s32 $0xFFFFC000  }
0x61: {  	[spmem:s1] =	stream.indirect.scatter.add.f32 [tilespmem:s26], [sflag:$0x3], $0x80, s25, s22, $0xb8;
	[tilespmem:$0x1BE00] =	vst v63  }
0x62: {  	s0 =	sadd.s32 $0x2, s0;
	_ =	swait.ge [sflag:s19], $0x4000  }
.LBB2_3:
0x63: {  	[sflag:s19] =	ssyncset.done $0x0  }
0x64: {  	[sflag:s19] =	ssyncadd.s32 $0xFFFFC000  }
0x65: {  	_ =	swait.ge [sflag:s28], $0x4000  }
0x66: {  	[sflag:s28] =	ssyncset.done $0x0  }
0x67: {  	[sflag:s28] =	ssyncadd.s32 $0xFFFFC000  }
0x68: {  	[bflag:$0x0] =	sbarrier.arrive $0xFFFF  }
0x69: {  	s0 =	rddreg [dreg:$0x4]  }
0x6a: {  	[hbm:s0], [sflag:s10] =	dma.local [spmem:s18], $0x2780  }
0x6b: {  	_ =	swait.ge [sflag:s19], $0x2780  }
0x6c: {  	s30 =	sadd.s32 $0x1, s30;
	s31 =	rddreg [dreg:$0x5]  }
0x6d: {  	p0 =	sne.s32 s30, s31  }
.Ltmp2:
0x6e: {  	_ = 	snop;
	(pc) =	sbr.rel @p0 .LBB2_1-.Ltmp2, $3  }
0x6f: {  	_ =	sdelay $0x1  }
0x70: {  	[sflag:s19] =	ssyncset.done $0x0  }
0x71: {  	[sflag:s19] =	ssyncadd.s32 $0xFFFFD880  }
0x72: {  	_ =	sfence.sel $0x180000  }
0x73: {  	[bflag:$0x0] =	sbarrier.arrive $0xFFFF  }
0x74: {  	_ =	strace $0x9000004D  }
0x75: {  	s0 =	stileid.u32;
	[bflag:$0x2] =	sbarrier.arrive $0xFFFF  }
0x76: {  	p0 =	sne.s32 s0, $0x0;
	s0 =	rddreg [dreg:$0x2]  }
0x77: {  	s0 =	sadd.s32 @!p0 $0x100000, s0  }
0x78: {  	[sflag:s0] =	ssyncadd.tile.s32 @!p0 $0x1;
	_ =	shalt  }
.Lfunc_end2:
_tile_overlayer_lowered:
.L_overlay_start_2:
0x79: {  	(tag) =	ssettag $0x2  }
0x7a: {  	s0 =	rddreg [dreg:$0x0];
	s2 =	stileid.u32  }
0x7b: {  	s1 =	rddreg [dreg:$0x1];
	p0 =	sne.s32 s2, $0x0  }
0x7c: {  	s3 =	rddreg [dreg:$0x2];
	[bflag:$0x3] =	sbarrier.arrive $0xFFFF;
	s2 =	simm.s32 @!p0 $0x1C03  }
0x7d: {  	[timem:s3], [sflag:s2] =	dma.local @!p0 [hbm:s0], s1  }
0x7e: {  	s0 =	simm.s32 @!p0 $0x3  }
0x7f: {  	_ =	swait.ge @!p0 [sflag:s0], s1  }
0x80: {  	s1 =	ssub.s32 @!p0 $0x0, s1;
	[sflag:s0] =	ssyncset.done @!p0 $0x0  }
0x81: {  	[sflag:s0] =	ssyncadd.s32 @!p0 s1  }
0x82: {  	[bflag:$0x3] =	sbarrier.arrive $0xFFFF  }
0x83: {  	_ =	shalt  }

// kernel: kernel.7.cloned.1.call-start
scs
__scs_entry_jumppad:
0x0: {  	(pc) =	sbr.rel $0x88, $3  }
0x1: {  	(tag) =	ssettag $0x0;
	lr =	simm.s32 $0x1  }
0x2: {  	[smem:$0x3F97] =	sst lr;
	_ =	strace $0xD0000000  }
0x3: {  	_ = 	snop  }
0x4: {  	_ = 	snop  }
0x5: {  	_ = 	snop  }
0x6: {  	_ = 	snop  }
0x7: {  	_ = 	snop  }
__scs_overlays_trampoline_lowered:
0x8: {  	[smem:$0x3FA6] =	sst s0  }
0x9: {  	[smem:$0x3FA7] =	sst s1  }
0xa: {  	[smem:$0x3FA8] =	sst s2  }
0xb: {  	[smem:$0x3FA9] =	sst s3  }
0xc: {  	[smem:$0x3FAA] =	sst s4  }
0xd: {  	[smem:$0x3FAB] =	sst s5  }
0xe: {  	[smem:$0x3FAC] =	sst s6  }
0xf: {  	[smem:$0x3FAD] =	sst s7  }
0x10: {  	[smem:$0x3FAE] =	sst s8  }
0x11: {  	[smem:$0x3FAF] =	sst s9;
	s0 =	simm.s32 @!p0 $0x0  }
0x12: {  	s1 =	sld [smem:$0x3F95];
	s0 =	simm.s32 @p0 $0x1  }
0x13: {  	[smem:$0x3FB0] =	sst s0;
	s0 =	simm.s32 @!p1 $0x0  }
0x14: {  	s2 =	sld [smem:$0x3F94];
	s0 =	simm.s32 @p1 $0x1  }
0x15: {  	[smem:$0x3FB1] =	sst s0;
	s0 =	simm.s32 @!p2 $0x0  }
0x16: {  	s3 =	sld [smem:$0x3FDB];
	s0 =	simm.s32 @p2 $0x1  }
0x17: {  	s4 =	simm.s32 $0x1BF5;
	[smem:$0x3FB3] =	sst s0  }
0x18: {  	s0 =	sld [smem:$0x3F96];
	_ =	swait.ge [sflag:s4], $0x0  }
0x19: {  	s7 =	sld [smem:$0x3F97]  }
0x1a: {  	s8 =	sadd.s32 $0xFFFFE003, lr  }
0x1b: {  	s9 =	sadd.s32 $0xFFFFFEF7, lr;
	s5 =	simm.s32 $0xFFFFFFFF;
	p2 =	slt.u32 s8, $0xFFFFF086  }
0x1c: {  	p1 =	slt.u32 s9, $0xF7A;
	s5 =	simm.s32 @!p2 $0x0  }
0x1d: {  	s5 =	simm.s32 @p1 $0x1;
	p0 =	seq.s32 s7, s2  }
0x1e: {  	s7 =	smul.u32 @!p0 $0xF7A, s2;
	p2 =	seq.s32 @!p0 s5, $0x0  }
0x1f: {  	s9 =	smul.u32 $0xF7A, s1;
	s8 =	simm.s32 @!p0 $0x1BF5;
	p2 =	por !p2, p0  }
0x20: {  	[sflag:s8] =	ssyncset.s32 @!p0 $0xFFFFF086;
	s6 =	sadd.s32 @!p0 s3, s7;
	s7 =	simm.s32 @!p0 $0x108  }
0x21: {  	s3 =	sadd.s32 s3, s9;
	s6 =	sadd.s32 @!p0 $0x88, s6;
	s7 =	simm.s32 @p2 $0x1082  }
0x22: {  	[simem:s7], [sflag:s8] =	dma.local @!p0 [hbm:s6], $0xF7A  }
0x23: {  	s9 =	sor.u32 $0xD0000000, s2;
	s6 =	simm.s32 $0x108;
	_ =	swait.ge @!p0 [sflag:s8], $0x0  }
0x24: {  	s3 =	sadd.s32 $0x88, s3;
	s6 =	simm.s32 @!p1 $0x1082;
	[sflag:s4] =	ssyncset.s32 $0xFFFFF086  }
0x25: {  	[simem:s6], [sflag:s4] =	dma.local [hbm:s3], $0xF7A  }
0x26: {  	[smem:$0x3F97] =	sst s1;
	(tag) =	ssettag s2;
	_ =	strace s9  }
0x27: {  	s1 =	sld [smem:$0x3FA7]  }
0x28: {  	s2 =	sld [smem:$0x3FA8]  }
0x29: {  	s4 =	sld [smem:$0x3FAA]  }
0x2a: {  	p0 =	seq.s32 s5, $0x0;
	s5 =	sld [smem:$0x3FAB]  }
0x2b: {  	s6 =	sld [smem:$0x3FAC]  }
0x2c: {  	s7 =	sld [smem:$0x3FAD]  }
0x2d: {  	s3 =	simm.s32 $0x108;
	s8 =	sld [smem:$0x3FAE]  }
0x2e: {  	s3 =	simm.s32 @!p0 $0x1082;
	s9 =	sld [smem:$0x3FAF]  }
0x2f: {  	lr =	sadd.s32 s0, s3;
	s0 =	sld [smem:$0x3FA6]  }
0x30: {  	s3 =	sld [smem:$0x3FA9]  }
0x31: {  	[smem:$0x3FB2] =	sst s10  }
0x32: {  	s10 =	sld [smem:$0x3FB0];
	_ =	sdelay $0x3  }
0x33: {  	p0 =	seq.s32 s10, $0x1;
	s10 =	sld [smem:$0x3FB2];
	_ =	sdelay $0x3  }
0x34: {  	[smem:$0x3FB2] =	sst s10  }
0x35: {  	s10 =	sld [smem:$0x3FB1];
	_ =	sdelay $0x3  }
0x36: {  	p1 =	seq.s32 s10, $0x1;
	s10 =	sld [smem:$0x3FB2];
	_ =	sdelay $0x3  }
0x37: {  	[smem:$0x3FB2] =	sst s10  }
0x38: {  	s10 =	sld [smem:$0x3FB3]  }
0x39: {  	_ = 	snop;
	(pc) =	sbr.ind lr, $3  }
0x3a: {  	_ = 	snop  }
0x3b: {  	_ = 	snop  }
0x3c: {  	p2 =	seq.s32 s10, $0x1;
	s10 =	sld [smem:$0x3FB2]  }
0x3d: {  	_ =	shalt  }
0x3e: {  	_ =	shalt  }
0x3f: {  	_ =	shalt  }
0x40: {  	_ =	shalt  }
0x41: {  	_ =	shalt  }
0x42: {  	_ =	shalt  }
0x43: {  	_ =	shalt  }
0x44: {  	_ =	shalt  }
0x45: {  	_ =	shalt  }
0x46: {  	_ =	shalt  }
0x47: {  	_ =	shalt  }
0x48: {  	_ =	shalt  }
0x49: {  	_ =	shalt  }
0x4a: {  	_ =	shalt  }
0x4b: {  	_ =	shalt  }
0x4c: {  	_ =	shalt  }
0x4d: {  	_ =	shalt  }
0x4e: {  	_ =	shalt  }
0x4f: {  	_ =	shalt  }
0x50: {  	_ =	shalt  }
0x51: {  	_ =	shalt  }
0x52: {  	_ =	shalt  }
0x53: {  	_ =	shalt  }
0x54: {  	_ =	shalt  }
0x55: {  	_ =	shalt  }
0x56: {  	_ =	shalt  }
0x57: {  	_ =	shalt  }
0x58: {  	_ =	shalt  }
0x59: {  	_ =	shalt  }
0x5a: {  	_ =	shalt  }
0x5b: {  	_ =	shalt  }
0x5c: {  	_ =	shalt  }
0x5d: {  	_ =	shalt  }
0x5e: {  	_ =	shalt  }
0x5f: {  	_ =	shalt  }
0x60: {  	_ =	shalt  }
0x61: {  	_ =	shalt  }
0x62: {  	_ =	shalt  }
0x63: {  	_ =	shalt  }
0x64: {  	_ =	shalt  }
0x65: {  	_ =	shalt  }
0x66: {  	_ =	shalt  }
0x67: {  	_ =	shalt  }
0x68: {  	_ =	shalt  }
0x69: {  	_ =	shalt  }
0x6a: {  	_ =	shalt  }
0x6b: {  	_ =	shalt  }
0x6c: {  	_ =	shalt  }
0x6d: {  	_ =	shalt  }
0x6e: {  	_ =	shalt  }
0x6f: {  	_ =	shalt  }
0x70: {  	_ =	shalt  }
0x71: {  	_ =	shalt  }
0x72: {  	_ =	shalt  }
0x73: {  	_ =	shalt  }
0x74: {  	_ =	shalt  }
0x75: {  	_ =	shalt  }
0x76: {  	_ =	shalt  }
0x77: {  	_ =	shalt  }
0x78: {  	_ =	shalt  }
0x79: {  	_ =	shalt  }
0x7a: {  	_ =	shalt  }
0x7b: {  	_ =	shalt  }
0x7c: {  	_ =	shalt  }
0x7d: {  	_ =	shalt  }
0x7e: {  	_ =	shalt  }
0x7f: {  	_ =	shalt  }
0x80: {  	_ =	shalt  }
0x81: {  	_ =	shalt  }
0x82: {  	_ =	shalt  }
0x83: {  	_ =	shalt  }
0x84: {  	_ =	shalt  }
0x85: {  	_ =	shalt  }
0x86: {  	_ =	shalt  }
0x87: {  	_ =	shalt  }
.Lfunc_end0:
.L_simem_size_0:
called_computation_lowered:
.L_overlay_start_0:
0x88: {  	s2 =	sld [smem:$0x3FD9]  }
0x89: {  	s3 =	sld [smem:$0x3FFE];
	_ =	sdelay $0x1  }
0x8a: {  	s1 =	srdreg.scid  }
0x8b: {  	s0 =	sand.u32 $0x1, s1  }
0x8c: {  	s16 =	sshll.u32 s0, $0xA;
	s2 =	sadd.s32 s3, s2  }
0x8d: {  	s2 =	sadd.s32 s2, s16  }
0x8e: {  	[smem:$0x3FBE] =	sst s2  }
0x8f: {  	_ = 	snop  }
0x90: {  	(tm) =	ssettm $0x1  }
0x91: {  	s17 =	sld [smem:$0x3FFB];
	_ =	sdelay $0x3  }
0x92: {  	_ =	strace s17  }
0x93: {  	s2 =	sld [smem:$0x3FFC];
	_ =	sdelay $0x3  }
0x94: {  	_ =	strace s2  }
0x95: {  	s2 =	sld [smem:$0x3FFD];
	_ =	sdelay $0x3  }
0x96: {  	_ =	strace s2  }
0x97: {  	_ =	strace $0x8FFFFFFF  }
0x98: {  	s18 =	sld [smem:$0x3FDB];
	_ =	sdelay $0x1  }
0x99: {  	s19 =	simm.s32 $_scs_section_size  }
0x9a: {  	s4 =	simm.s32 $_size__tile_overlayer_lowered;
	s5 =	simm.s32 $_tile_overlayer_lowered  }
0x9b: {  	s22 =	simm.s32 $0x1BFF;
	s21 =	sshll.u32 s5, $0x1;
	s2 =	sadd.s32 s19, s18  }
0x9c: {  	s6 =	simm.s32 $0x0;
	s20 =	sshll.u32 s4, $0x1;
	s4 =	sadd.s32 s21, s2  }
0x9d: {  	[timem:s6], [sflag:s22] =	dma.local [hbm:s4], s20  }
0x9e: {  	_ =	swait.ge [sflag:s22], s20  }
0x9f: {  	s3 =	ssub.s32 $0x0, s20;
	[sflag:s22] =	ssyncset.done $0x0  }
0xa0: {  	[sflag:s22] =	ssyncadd.s32 s3;
	_ =	sdelay $0x1  }
0xa1: {  	s23 =	simm.s32 $0x1B8B  }
0xa2: {  	_ =	swait.ge [sflag:s23], $0x1  }
0xa3: {  	[sflag:s23] =	ssyncset.done $0x0  }
0xa4: {  	s25 =	simm.s32 $0x1B8E;
	s24 =	sld [smem:$0x3FFE];
	[sflag:s23] =	ssyncadd.s32 $0xFFFFFFFF  }
0xa5: {  	s26 =	simm.s32 $execute0_lowered;
	[smem:$0x3FD2] =	sst s25  }
0xa6: {  	s4 =	sshll.u32 s26, $0x1;
	_ =	strace $0x80000046;
	[dreg:$0x1] =	wrdreg $0xFFFFFFFF  }
0xa7: {  	s28 =	simm.s32 $_size_execute0_lowered;
	s2 =	sadd.s32 s2, s4;
	[dreg:$0x0] =	wrdreg $0x0  }
0xa8: {  	s4 =	sshll.u32 s28, $0x1;
	[dreg:$0x2] =	wrdreg s2  }
0xa9: {  	[dreg:$0x3] =	wrdreg s4  }
0xaa: {  	[dreg:$0x4] =	wrdreg $0xC0  }
0xab: {  	_ =	task [dreg:s6], $0x5FFFF  }
0xac: {  	[dreg:$0x1] =	wrdreg $0xFFFFFFFF  }
0xad: {  	[dreg:$0x0] =	wrdreg $0x60  }
0xae: {  	[dreg:$0x2] =	wrdreg s24  }
0xaf: {  	[dreg:$0x3] =	wrdreg $0x0  }
0xb0: {  	[dreg:$0x4] =	wrdreg $0x9  }
0xb1: {  	_ =	task.clear_ibuf [dreg:s6], $0x5FFFF;
	_ =	strace $0x90000046  }
0xb2: {  	s29 =	simm.s32 $0x9;
	_ =	strace $0x80000048  }
0xb3: {  	_ =	swait.ge [sflag:s29], $0x1  }
0xb4: {  	[sflag:s29] =	ssyncadd.s32 $0xFFFFFFFF  }
0xb5: {  	_ =	strace $0x90000048  }
0xb6: {  	_ =	sfence  }
0xb7: {  	s30 =	sld [smem:$0x0];
	_ =	sdelay $0x2  }
0xb8: {  	s31 =	sshll.u32 s1, $0xD;
	s1 =	sshrl.u32 s1, $0x2  }
0xb9: {  	s3 =	sand.u32 $0x4000, s31;
	s1 =	sadd.s32 s1, s30  }
0xba: {  	s0 =	sor.u32 s3, s0;
	s1 =	sshll.u32 s1, $0x11  }
0xbb: {  	s0 =	sor.u32 s1, s0  }
0xbc: {  	s0 =	sadd.s32 $0x8F2B, s0  }
0xbd: {  	[sflag:s0] =	ssyncadd.remote.s32 $0x1  }
0xbe: {  	_ =	sfence.sel $0xFFFF  }
0xbf: {  	[dreg:$0x0] =	wrdreg $0xFFFFFFFF;
	(pc) =	sbr.abs _section_cstart, $3  }
0xc0: {  	[dreg:$0x1] =	wrdreg $0xFFFFFFFF  }
0xc1: {  	_ =	task.clear_ibuf [dreg:s6], $0x2FFFF;
	_ =	strace $0x9FFFFFFF  }
0xc2: {  	(tm) =	ssettm $0x7FFFFFFF  }
0xc3: {  	_ =	shalt  }
tec
execute0_lowered:
.L_overlay_start_1:
0x0: {  	(tag) =	ssettag $0x1  }
0x1: {  	s6 =	rddreg [dreg:$0x0];
	s0 =	srdreg.scid  }
0x2: {  	s1 =	rddreg [dreg:$0x1];
	s2 =	stileid.u32  }
0x3: {  	s3 =	simm.s32 $0x0;
	s14 =	simm.s32 $0x80;
	s9 =	smul.u32 $0x13C00, s2  }
0x4: {  	s7 =	sand.u32 $0x1, s0;
	s0 =	rddreg [dreg:$0x2];
	s26 =	smul.u32 $0x4F000, s2  }
0x5: {  	s15 =	simm.s32 $0x0;
	[smem:$0x7FF] =	sst s3;
	s11 =	smul.u32 $0x4F0, s2  }
0x6: {  	s5 =	sadd.s32 $0x19200, s6;
	s30 =	sshll.u32 s2, $0x6;
	s4 =	smul.u32 $0x4F00, s7  }
0x7: {  	s8 =	smul.u32 $0x13C000, s7;
	_ =	strace $0x80000047;
	s7 =	ssub.s32 $0x2, s7  }
0x8: {  	s28 =	sshrl.u32 s7, $0x1;
	s29 =	sshrl.u32 s26, $0x2;
	s10 =	sadd.s32 s4, s6  }
0x9: {  	s4 =	sadd.s32 $0x16A00, s6;
	s8 =	sadd.s32 s9, s8;
	s12 =	ssub.s32 s7, s28  }
0xa: {  	s13 =	sadd.s32 s29, s1;
	s8 =	sshrl.u32 s8, $0x3;
	s31 =	sadd.s32 s11, s10  }
0xb: {  	s10 =	sshrl.u32 s13, $0x3;
	s11 =	simm.s32 $0x1;
	s13 =	simm.s32 $0x13C00  }
0xc: {  	s8 =	sadd.s32 s8, s6;
	s6 =	sor.u32 $0x1C01, s30;
	s9 =	sadd.s32 $0xCC00, s31  }
0xd: {  	s7 =	sadd.s32 $0x19A00, s8;
	s8 =	smax.u32 s12, $0x1;
	s12 =	simm.s32 $0x13C80  }
.LBB2_1:
0xe: {  	[spmem:s10], [sflag:s6] =	dma.local [hbm:s4], $0x2780  }
0xf: {  	_ =	swait.ge [sflag:s11], $0x2780  }
0x10: {  	[sflag:s11] =	ssyncset.done $0x0  }
0x11: {  	[sflag:s11] =	ssyncadd.s32 $0xFFFFD880  }
0x12: {  	[tilespmem:s12], [sflag:$0x1] =	stream.linear.gather [hbm4b:s5+s3], $0x4000, $0x38;
	[tilespmem:$0x17C80] =	vst v63  }
0x13: {  	_ =	swait.ge [sflag:s11], $0x4000  }
0x14: {  	[sflag:s11] =	ssyncset.done $0x0  }
0x15: {  	[sflag:s11] =	ssyncadd.s32 $0xFFFFC000  }
0x16: {  	s16 =	sadd.s32 $0x0, s9;
	[bflag:$0x0] =	sbarrier.arrive $0xFFFF  }
0x17: {  	[tilespmem:s13], [sflag:$0x1] =	stream.linear.gather [hbm4b:s16+s3], $0x80, $0x38;
	[tilespmem:$0x17C80] =	vst v63  }
0x18: {  	_ =	swait.ge [sflag:s11], $0x80  }
0x19: {  	[sflag:s11] =	ssyncset.done $0x0  }
0x1a: {  	[sflag:s11] =	ssyncadd.s32 $0xFFFFFF80  }
0x1b: {  	[spmem:s1] =	stream.indirect.scatter.add.f32 [tilespmem:s12], [sflag:$0x1], $0x80, s13, s14, $0xb8;
	[tilespmem:$0x17C80] =	vst v63  }
0x1c: {  	_ =	swait.ge [sflag:s11], $0x4000  }
0x1d: {  	s17 =	simm.s32 $0x20;
	s16 =	simm.s32 $0x10;
	[sflag:s11] =	ssyncset.done $0x0  }
.LBB2_2:
0x1e: {  	s18 =	sadd.s32 s16, s9  }
0x1f: {  	[sflag:s11] =	ssyncadd.s32 $0xFFFFC000;
	s16 =	smov.u32 s17;
	s19 =	sadd.s32 $0x10, s17  }
0x20: {  	[tilespmem:s13], [sflag:$0x1] =	stream.linear.gather [hbm4b:s18+s3], $0x80, $0x38;
	[tilespmem:$0x17C80] =	vst v63  }
0x21: {  	p0 =	sne.s32 s17, $0x4E0;
	_ =	swait.ge [sflag:s11], $0x80  }
.Ltmp0:
0x22: {  	[sflag:s11] =	ssyncset.done $0x0;
	(pc) =	sbr.rel @p0 .LBB2_2-.Ltmp0, $4  }
0x23: {  	[sflag:s11] =	ssyncadd.s32 $0xFFFFFF80  }
0x24: {  	[spmem:s1] =	stream.indirect.scatter.add.f32 [tilespmem:s12], [sflag:$0x1], $0x80, s13, s14, $0xb8;
	[tilespmem:$0x17C80] =	vst v63  }
0x25: {  	_ =	swait.ge [sflag:s11], $0x4000  }
0x26: {  	s17 =	smov.u32 s19;
	[sflag:s11] =	ssyncset.done $0x0  }
0x27: {  	s16 =	sadd.s32 s16, s9;
	[sflag:s11] =	ssyncadd.s32 $0xFFFFC000  }
0x28: {  	[tilespmem:s13], [sflag:$0x1] =	stream.linear.gather [hbm4b:s16+s3], $0x80, $0x38;
	[tilespmem:$0x17C80] =	vst v63  }
0x29: {  	_ =	swait.ge [sflag:s11], $0x80  }
0x2a: {  	[sflag:s11] =	ssyncset.done $0x0  }
0x2b: {  	[sflag:s11] =	ssyncadd.s32 $0xFFFFFF80  }
0x2c: {  	[spmem:s1] =	stream.indirect.scatter.add.f32 [tilespmem:s12], [sflag:$0x1], $0x80, s13, s14, $0xb8;
	[tilespmem:$0x17C80] =	vst v63  }
0x2d: {  	_ =	swait.ge [sflag:s11], $0x4000  }
0x2e: {  	s15 =	sadd.s32 $0x1, s15;
	[sflag:s11] =	ssyncset.done $0x0  }
0x2f: {  	p0 =	sne.s32 s15, s8;
	[sflag:s11] =	ssyncadd.s32 $0xFFFFC000  }
.Ltmp1:
0x30: {  	[bflag:$0x0] =	sbarrier.arrive $0xFFFF;
	(pc) =	sbr.rel @p0 .LBB2_1-.Ltmp1, $4  }
0x31: {  	[hbm:s7], [sflag:s6] =	dma.local [spmem:s10], $0x2780  }
0x32: {  	_ =	swait.ge [sflag:s11], $0x2780  }
0x33: {  	[sflag:s11] =	ssyncset.done $0x0  }
0x34: {  	[sflag:s11] =	ssyncadd.s32 $0xFFFFD880  }
0x35: {  	_ =	sfence.sel $0x180000  }
0x36: {  	[bflag:$0x0] =	sbarrier.arrive $0xFFFF  }
0x37: {  	p0 =	sne.s32 s2, $0x0;
	_ =	strace $0x90000047  }
0x38: {  	s0 =	sadd.s32 @!p0 $0x100000, s0;
	[bflag:$0x2] =	sbarrier.arrive $0xFFFF  }
0x39: {  	[sflag:s0] =	ssyncadd.tile.s32 @!p0 $0x1;
	_ =	shalt  }
.Lfunc_end2:
_tile_overlayer_lowered:
.L_overlay_start_2:
0x3a: {  	(tag) =	ssettag $0x2  }
0x3b: {  	s0 =	rddreg [dreg:$0x0];
	s2 =	stileid.u32  }
0x3c: {  	s1 =	rddreg [dreg:$0x1];
	p0 =	sne.s32 s2, $0x0  }
0x3d: {  	s3 =	rddreg [dreg:$0x2];
	[bflag:$0x3] =	sbarrier.arrive $0xFFFF;
	s2 =	simm.s32 @!p0 $0x1C01  }
0x3e: {  	[timem:s3], [sflag:s2] =	dma.local @!p0 [hbm:s0], s1  }
0x3f: {  	s0 =	simm.s32 @!p0 $0x1  }
0x40: {  	_ =	swait.ge @!p0 [sflag:s0], s1  }
0x41: {  	s1 =	ssub.s32 @!p0 $0x0, s1;
	[sflag:s0] =	ssyncset.done @!p0 $0x0  }
0x42: {  	[sflag:s0] =	ssyncadd.s32 @!p0 s1  }
0x43: {  	[bflag:$0x3] =	sbarrier.arrive $0xFFFF  }
0x44: {  	_ =	shalt  }

</sc_bundles>
